<compile_context>
chip_gen: v7x
topology: tpu7x:2x2x1
jax: 0.10.2.dev20260603
libtpu: 0.0.44.dev20260713+nightly
codegen_flags: <defaults>
</compile_context>

<pallas_src>
import functools

import jax
import jax.numpy as jnp
from jax import lax
from jax.experimental import pallas as pl
from jax.experimental.pallas import tpu as pltpu
from jax.experimental.pallas import tpu_sc as plsc

_N = 1048576
_THRESHOLD = 0.01

_NC = 2
_NS = 16
_NW = _NC * _NS
_N_SC = _N // 2
_PER_W = _N_SC // _NW
_CHUNK = 4096
_NCHUNK = _PER_W // _CHUNK
_LANES = 16
_UNROLL = 8


def _chunk_accum(xb, yb, accs):
    def body(j, accs):
        accs = list(accs)
        for u in range(_UNROLL):
            off = (j * _UNROLL + u) * _LANES
            xv = xb[pl.ds(off, _LANES)]
            yv = yb[pl.ds(off, _LANES)]
            d = jnp.abs(xv - yv)
            w = jnp.where(yv < _THRESHOLD, 4.0, 1.0).astype(jnp.float32)
            accs[u % 4] = accs[u % 4] + d * w
        return tuple(accs)
    return lax.fori_loop(0, _CHUNK // (_LANES * _UNROLL), body, accs)


@functools.partial(
    pl.kernel,
    mesh=plsc.VectorSubcoreMesh(core_axis_name="c", subcore_axis_name="s"),
    out_type=jax.ShapeDtypeStruct((_NW, _LANES), jnp.float32),
    scratch_types=[
        pltpu.VMEM((_CHUNK,), jnp.float32),
        pltpu.VMEM((_CHUNK,), jnp.float32),
        pltpu.VMEM((_CHUNK,), jnp.float32),
        pltpu.VMEM((_CHUNK,), jnp.float32),
        pltpu.VMEM((_LANES,), jnp.float32),
        pltpu.SemaphoreType.DMA,
        pltpu.SemaphoreType.DMA,
        pltpu.SemaphoreType.DMA,
        pltpu.SemaphoreType.DMA,
    ],
)
def _sc_partial_sums(x_hbm, y_hbm, out_hbm,
                     xb0, xb1, yb0, yb1, accv,
                     sx0, sx1, sy0, sy1):
    wid = lax.axis_index("s") * _NC + lax.axis_index("c")
    base = wid * _PER_W

    xbufs = (xb0, xb1)
    ybufs = (yb0, yb1)
    sxs = (sx0, sx1)
    sys_ = (sy0, sy1)

    def start(i, slot):
        src = pl.ds(base + i * _CHUNK, _CHUNK)
        cx = pltpu.async_copy(x_hbm.at[src], xbufs[slot], sxs[slot])
        cy = pltpu.async_copy(y_hbm.at[src], ybufs[slot], sys_[slot])
        return cx, cy

    zero = jnp.zeros((_LANES,), jnp.float32)
    accs = (zero, zero, zero, zero)
    pending = start(0, 0)
    for i in range(_NCHUNK):
        slot = i % 2
        nxt = None
        if i + 1 < _NCHUNK:
            nxt = start(i + 1, 1 - slot)
        pending[0].wait()
        pending[1].wait()
        accs = _chunk_accum(xbufs[slot], ybufs[slot], accs)
        pending = nxt

    accv[...] = (accs[0] + accs[1]) + (accs[2] + accs[3])
    pltpu.sync_copy(accv, out_hbm.at[wid])


_N_TC = _N - _N_SC
_TC_COLS = 512
_TC_ROWS = _N_TC // _TC_COLS
_TC_RB = 256
_TC_STEPS = _TC_ROWS // _TC_RB


def _tc_body(x_ref, y_ref, out_ref):
    @pl.when(pl.program_id(0) == 0)
    def _():
        out_ref[...] = jnp.zeros_like(out_ref)
    d = jnp.abs(x_ref[...] - y_ref[...])
    w = jnp.where(y_ref[...] < _THRESHOLD, 4.0, 1.0).astype(jnp.float32)
    out_ref[...] += jnp.sum(d * w, axis=0, keepdims=True)


def _tc_partial_sums(xt, yt):
    return pl.pallas_call(
        _tc_body,
        grid=(_TC_STEPS,),
        in_specs=[
            pl.BlockSpec((_TC_RB, _TC_COLS), lambda i: (i, 0)),
            pl.BlockSpec((_TC_RB, _TC_COLS), lambda i: (i, 0)),
        ],
        out_specs=pl.BlockSpec((1, _TC_COLS), lambda i: (0, 0)),
        out_shape=jax.ShapeDtypeStruct((1, _TC_COLS), jnp.float32),
    )(xt, yt)


def kernel(x, y):
    xf = x.reshape(_N)
    yf = y.reshape(_N)
    sc_partials = _sc_partial_sums(xf[:_N_SC], yf[:_N_SC])
    tc_partials = _tc_partial_sums(
        xf[_N_SC:].reshape(_TC_ROWS, _TC_COLS),
        yf[_N_SC:].reshape(_TC_ROWS, _TC_COLS),
    )
    loss = (jnp.sum(sc_partials) + jnp.sum(tc_partials)) * (1.0 / _N)
    return loss.reshape(1, 1)

# --- scband reference (transcript-rebuilt; emitter-appended) ---
"""Pipeline reference for scband-sdf-loss-69114613728638 (READ-ONLY COPY).

The authoritative reference and input builder live on the scoring server;
editing this copy changes nothing except your own understanding.
"""

import jax, jax.numpy as jnp
import numpy as np

threshold = 0.01

def setup_inputs(seed: int = 0) -> dict:
    key = jax.random.key(seed)
    k1, k2 = jax.random.split(key)
    x = jax.random.normal(k1, (1048576, 1), dtype=jnp.float32)
    y = jax.random.uniform(k2, (1048576, 1), dtype=jnp.float32)
    return {"x": x, "y": y}

def reference(x, y):
    batch_size = x.shape[0]
    # weight = ones[N,1]; rows where any element of y-row < threshold get weight 4
    # (torch: index = nonzero(y < threshold)[:,0]; weight[index] = 4)
    row_mask = jnp.any(y < threshold, axis=1)
    weight = jnp.where(row_mask[:, None], 4.0, 1.0).astype(jnp.float32)
    # loss = weight^T @ |x - y| / batch_size  -> shape [1, 1]
    loss = jnp.matmul(jnp.transpose(weight), jnp.abs(x - y)) / batch_size
    return loss

if __name__ == "__main__":
    import jax
    _d = setup_inputs()
    print(jax.jit(kernel)(*tuple(_d.values())))

</pallas_src>

<mosaic_0001>
#map = affine_map<(d0, d1) -> (0)>
#map1 = affine_map<(d0, d1) -> (0, 0)>
module attributes {stable_mosaic.version = 14 : i64} {
  func.func @_sc_partial_sums(%arg0: i32, %arg1: i32, %arg2: memref<524288xf32, #tpu.memory_space<hbm>>, %arg3: memref<524288xf32, #tpu.memory_space<hbm>>, %arg4: memref<32x16xf32, #tpu.memory_space<hbm>>, %arg5: memref<4096xf32, #tpu.memory_space<vmem>>, %arg6: memref<4096xf32, #tpu.memory_space<vmem>>, %arg7: memref<4096xf32, #tpu.memory_space<vmem>>, %arg8: memref<4096xf32, #tpu.memory_space<vmem>>, %arg9: memref<16xf32, #tpu.memory_space<vmem>>, %arg10: memref<!tpu.dma_semaphore, #tpu.memory_space<semaphore_mem>>, %arg11: memref<!tpu.dma_semaphore, #tpu.memory_space<semaphore_mem>>, %arg12: memref<!tpu.dma_semaphore, #tpu.memory_space<semaphore_mem>>, %arg13: memref<!tpu.dma_semaphore, #tpu.memory_space<semaphore_mem>>) attributes {dimension_semantics = [#tpu.dimension_semantics<core_parallel>, #tpu.dimension_semantics<subcore_parallel>], iteration_bounds = array<i64: 2, 16>, scalar_prefetch = 0 : i64, scratch_operands = 9 : i64, tpu.core_type = #tpu.core_type<sc_vector_subcore>, window_params = [{transform_indices = #map}, {transform_indices = #map}, {transform_indices = #map1}]} {
    %mul3A = arith.constant 2 : i32
    %mul3A_0 = arith.muli %arg1, %mul3A : i32
    %add3A = arith.addi %mul3A_0, %arg0 : i32
    %mul3A_1 = arith.constant 16384 : i32
    %mul3A_2 = arith.muli %add3A, %mul3A_1 : i32
    %broadcast_in_dim3A = arith.constant 0.000000e+00 : f32
    %broadcast_in_dim3A_3 = vector.broadcast %broadcast_in_dim3A : f32 to vector<16xf32>
    %add3A_4 = arith.constant 0 : i32
    %add3A_5 = arith.addi %mul3A_2, %add3A_4 : i32
    %dma_start3A = tpu.memref_slice %arg2[%add3A_5] : memref<524288xf32, #tpu.memory_space<hbm>> -> memref<4096xf32, #tpu.memory_space<hbm>>
    %dma_start3A_6 = tpu.memref_slice %arg2[%add3A_5] : memref<524288xf32, #tpu.memory_space<hbm>> -> memref<4096xf32, #tpu.memory_space<hbm>>
    tpu.enqueue_dma source(%dma_start3A_6 : memref<4096xf32, #tpu.memory_space<hbm>>) target(%arg5 : memref<4096xf32, #tpu.memory_space<vmem>>) target_semaphore(%arg10 : memref<!tpu.dma_semaphore, #tpu.memory_space<semaphore_mem>>)
    %dma_start3A_7 = tpu.memref_slice %arg3[%add3A_5] : memref<524288xf32, #tpu.memory_space<hbm>> -> memref<4096xf32, #tpu.memory_space<hbm>>
    %dma_start3A_8 = tpu.memref_slice %arg3[%add3A_5] : memref<524288xf32, #tpu.memory_space<hbm>> -> memref<4096xf32, #tpu.memory_space<hbm>>
    tpu.enqueue_dma source(%dma_start3A_8 : memref<4096xf32, #tpu.memory_space<hbm>>) target(%arg7 : memref<4096xf32, #tpu.memory_space<vmem>>) target_semaphore(%arg12 : memref<!tpu.dma_semaphore, #tpu.memory_space<semaphore_mem>>)
    %add3A_9 = arith.constant 4096 : i32
    %add3A_10 = arith.addi %mul3A_2, %add3A_9 : i32
    %dma_start3A_11 = tpu.memref_slice %arg2[%add3A_10] : memref<524288xf32, #tpu.memory_space<hbm>> -> memref<4096xf32, #tpu.memory_space<hbm>>
    %dma_start3A_12 = tpu.memref_slice %arg2[%add3A_10] : memref<524288xf32, #tpu.memory_space<hbm>> -> memref<4096xf32, #tpu.memory_space<hbm>>
    tpu.enqueue_dma source(%dma_start3A_12 : memref<4096xf32, #tpu.memory_space<hbm>>) target(%arg6 : memref<4096xf32, #tpu.memory_space<vmem>>) target_semaphore(%arg11 : memref<!tpu.dma_semaphore, #tpu.memory_space<semaphore_mem>>)
    %dma_start3A_13 = tpu.memref_slice %arg3[%add3A_10] : memref<524288xf32, #tpu.memory_space<hbm>> -> memref<4096xf32, #tpu.memory_space<hbm>>
    %dma_start3A_14 = tpu.memref_slice %arg3[%add3A_10] : memref<524288xf32, #tpu.memory_space<hbm>> -> memref<4096xf32, #tpu.memory_space<hbm>>
    tpu.enqueue_dma source(%dma_start3A_14 : memref<4096xf32, #tpu.memory_space<hbm>>) target(%arg8 : memref<4096xf32, #tpu.memory_space<vmem>>) target_semaphore(%arg13 : memref<!tpu.dma_semaphore, #tpu.memory_space<semaphore_mem>>)
    %dma_wait3A = tpu.memref_slice %arg2[%add3A_5] : memref<524288xf32, #tpu.memory_space<hbm>> -> memref<4096xf32, #tpu.memory_space<hbm>>
    %dma_wait3A_15 = tpu.memref_slice %arg2[%add3A_5] : memref<524288xf32, #tpu.memory_space<hbm>> -> memref<4096xf32, #tpu.memory_space<hbm>>
    tpu.wait_dma2 semaphore(%arg10 : memref<!tpu.dma_semaphore, #tpu.memory_space<semaphore_mem>>) src(%dma_wait3A_15 : memref<4096xf32, #tpu.memory_space<hbm>>) dst(%arg5 : memref<4096xf32, #tpu.memory_space<vmem>>)
    %dma_wait3A_16 = tpu.memref_slice %arg3[%add3A_5] : memref<524288xf32, #tpu.memory_space<hbm>> -> memref<4096xf32, #tpu.memory_space<hbm>>
    %dma_wait3A_17 = tpu.memref_slice %arg3[%add3A_5] : memref<524288xf32, #tpu.memory_space<hbm>> -> memref<4096xf32, #tpu.memory_space<hbm>>
    tpu.wait_dma2 semaphore(%arg12 : memref<!tpu.dma_semaphore, #tpu.memory_space<semaphore_mem>>) src(%dma_wait3A_17 : memref<4096xf32, #tpu.memory_space<hbm>>) dst(%arg7 : memref<4096xf32, #tpu.memory_space<vmem>>)
    %scan3A = arith.constant 0 : i32
    %scan3A_18 = arith.constant 32 : i32
    %scan3A_19 = arith.addi %scan3A, %scan3A_18 : i32
    %scan3A_20 = arith.constant 1 : i32
    %scan3A_21:4 = scf.for %scan3A_71 = %scan3A to %scan3A_19 step %scan3A_20 iter_args(%scan3A_72 = %broadcast_in_dim3A_3, %scan3A_73 = %broadcast_in_dim3A_3, %scan3A_74 = %broadcast_in_dim3A_3, %scan3A_75 = %broadcast_in_dim3A_3) -> (vector<16xf32>, vector<16xf32>, vector<16xf32>, vector<16xf32>)  : i32 {
      %mul3A_76 = arith.constant 8 : i32
      %mul3A_77 = arith.muli %scan3A_71, %mul3A_76 : i32
      %add3A_78 = arith.constant 0 : i32
      %add3A_79 = arith.addi %mul3A_77, %add3A_78 : i32
      %mul3A_80 = arith.constant 16 : i32
      %mul3A_81 = arith.muli %add3A_79, %mul3A_80 : i32
      %get3A = arith.index_cast %mul3A_81 : i32 to index
      %get3A_82 = tpu.vector_load %arg5[%get3A] {strides = array<i32>} : memref<4096xf32, #tpu.memory_space<vmem>>, vector<16xf32>,
      %get3A_83 = vector.shape_cast %get3A_82 : vector<16xf32> to vector<16xf32>
      %get3A_84 = arith.index_cast %mul3A_81 : i32 to index
      %get3A_85 = tpu.vector_load %arg7[%get3A_84] {strides = array<i32>} : memref<4096xf32, #tpu.memory_space<vmem>>, vector<16xf32>,
      %get3A_86 = vector.shape_cast %get3A_85 : vector<16xf32> to vector<16xf32>
      %sub3A = arith.subf %get3A_83, %get3A_86 : vector<16xf32>
      %abs3A = math.absf %sub3A : vector<16xf32>
      %lt3A = arith.constant 0.00999999977 : f32
      %lt3A_87 = vector.broadcast %lt3A : f32 to vector<16xf32>
      %lt3A_88 = arith.cmpf olt, %get3A_86, %lt3A_87 : vector<16xf32>
      %jit3A = arith.constant 4.000000e+00 : f32
      %jit3A_89 = arith.constant 1.000000e+00 : f32
      %broadcast_in_dim3A_90 = vector.broadcast %jit3A : f32 to vector<16xf32>
      %broadcast_in_dim3A_91 = vector.broadcast %jit3A_89 : f32 to vector<16xf32>
      %select_n3A = arith.select %lt3A_88, %broadcast_in_dim3A_90, %broadcast_in_dim3A_91 : vector<16xi1>, vector<16xf32>
      %mul3A_92 = arith.mulf %abs3A, %select_n3A : vector<16xf32>
      %add3A_93 = arith.addf %scan3A_72, %mul3A_92 : vector<16xf32>
      %mul3A_94 = arith.constant 8 : i32
      %mul3A_95 = arith.muli %scan3A_71, %mul3A_94 : i32
      %add3A_96 = arith.constant 1 : i32
      %add3A_97 = arith.addi %mul3A_95, %add3A_96 : i32
      %mul3A_98 = arith.constant 16 : i32
      %mul3A_99 = arith.muli %add3A_97, %mul3A_98 : i32
      %get3A_100 = arith.index_cast %mul3A_99 : i32 to index
      %get3A_101 = tpu.vector_load %arg5[%get3A_100] {strides = array<i32>} : memref<4096xf32, #tpu.memory_space<vmem>>, vector<16xf32>,
      %get3A_102 = vector.shape_cast %get3A_101 : vector<16xf32> to vector<16xf32>
      %get3A_103 = arith.index_cast %mul3A_99 : i32 to index
      %get3A_104 = tpu.vector_load %arg7[%get3A_103] {strides = array<i32>} : memref<4096xf32, #tpu.memory_space<vmem>>, vector<16xf32>,
      %get3A_105 = vector.shape_cast %get3A_104 : vector<16xf32> to vector<16xf32>
      %sub3A_106 = arith.subf %get3A_102, %get3A_105 : vector<16xf32>
      %abs3A_107 = math.absf %sub3A_106 : vector<16xf32>
      %lt3A_108 = arith.constant 0.00999999977 : f32
      %lt3A_109 = vector.broadcast %lt3A_108 : f32 to vector<16xf32>
      %lt3A_110 = arith.cmpf olt, %get3A_105, %lt3A_109 : vector<16xf32>
      %jit3A_111 = arith.constant 4.000000e+00 : f32
      %jit3A_112 = arith.constant 1.000000e+00 : f32
      %broadcast_in_dim3A_113 = vector.broadcast %jit3A_111 : f32 to vector<16xf32>
      %broadcast_in_dim3A_114 = vector.broadcast %jit3A_112 : f32 to vector<16xf32>
      %select_n3A_115 = arith.select %lt3A_110, %broadcast_in_dim3A_113, %broadcast_in_dim3A_114 : vector<16xi1>, vector<16xf32>
      %mul3A_116 = arith.mulf %abs3A_107, %select_n3A_115 : vector<16xf32>
      %add3A_117 = arith.addf %scan3A_73, %mul3A_116 : vector<16xf32>
      %mul3A_118 = arith.constant 8 : i32
      %mul3A_119 = arith.muli %scan3A_71, %mul3A_118 : i32
      %add3A_120 = arith.constant 2 : i32
      %add3A_121 = arith.addi %mul3A_119, %add3A_120 : i32
      %mul3A_122 = arith.constant 16 : i32
      %mul3A_123 = arith.muli %add3A_121, %mul3A_122 : i32
      %get3A_124 = arith.index_cast %mul3A_123 : i32 to index
      %get3A_125 = tpu.vector_load %arg5[%get3A_124] {strides = array<i32>} : memref<4096xf32, #tpu.memory_space<vmem>>, vector<16xf32>,
      %get3A_126 = vector.shape_cast %get3A_125 : vector<16xf32> to vector<16xf32>
      %get3A_127 = arith.index_cast %mul3A_123 : i32 to index
      %get3A_128 = tpu.vector_load %arg7[%get3A_127] {strides = array<i32>} : memref<4096xf32, #tpu.memory_space<vmem>>, vector<16xf32>,
      %get3A_129 = vector.shape_cast %get3A_128 : vector<16xf32> to vector<16xf32>
      %sub3A_130 = arith.subf %get3A_126, %get3A_129 : vector<16xf32>
      %abs3A_131 = math.absf %sub3A_130 : vector<16xf32>
      %lt3A_132 = arith.constant 0.00999999977 : f32
      %lt3A_133 = vector.broadcast %lt3A_132 : f32 to vector<16xf32>
      %lt3A_134 = arith.cmpf olt, %get3A_129, %lt3A_133 : vector<16xf32>
      %jit3A_135 = arith.constant 4.000000e+00 : f32
      %jit3A_136 = arith.constant 1.000000e+00 : f32
      %broadcast_in_dim3A_137 = vector.broadcast %jit3A_135 : f32 to vector<16xf32>
      %broadcast_in_dim3A_138 = vector.broadcast %jit3A_136 : f32 to vector<16xf32>
      %select_n3A_139 = arith.select %lt3A_134, %broadcast_in_dim3A_137, %broadcast_in_dim3A_138 : vector<16xi1>, vector<16xf32>
      %mul3A_140 = arith.mulf %abs3A_131, %select_n3A_139 : vector<16xf32>
      %add3A_141 = arith.addf %scan3A_74, %mul3A_140 : vector<16xf32>
      %mul3A_142 = arith.constant 8 : i32
      %mul3A_143 = arith.muli %scan3A_71, %mul3A_142 : i32
      %add3A_144 = arith.constant 3 : i32
      %add3A_145 = arith.addi %mul3A_143, %add3A_144 : i32
      %mul3A_146 = arith.constant 16 : i32
      %mul3A_147 = arith.muli %add3A_145, %mul3A_146 : i32
      %get3A_148 = arith.index_cast %mul3A_147 : i32 to index
      %get3A_149 = tpu.vector_load %arg5[%get3A_148] {strides = array<i32>} : memref<4096xf32, #tpu.memory_space<vmem>>, vector<16xf32>,
      %get3A_150 = vector.shape_cast %get3A_149 : vector<16xf32> to vector<16xf32>
      %get3A_151 = arith.index_cast %mul3A_147 : i32 to index
      %get3A_152 = tpu.vector_load %arg7[%get3A_151] {strides = array<i32>} : memref<4096xf32, #tpu.memory_space<vmem>>, vector<16xf32>,
      %get3A_153 = vector.shape_cast %get3A_152 : vector<16xf32> to vector<16xf32>
      %sub3A_154 = arith.subf %get3A_150, %get3A_153 : vector<16xf32>
      %abs3A_155 = math.absf %sub3A_154 : vector<16xf32>
      %lt3A_156 = arith.constant 0.00999999977 : f32
      %lt3A_157 = vector.broadcast %lt3A_156 : f32 to vector<16xf32>
      %lt3A_158 = arith.cmpf olt, %get3A_153, %lt3A_157 : vector<16xf32>
      %jit3A_159 = arith.constant 4.000000e+00 : f32
      %jit3A_160 = arith.constant 1.000000e+00 : f32
      %broadcast_in_dim3A_161 = vector.broadcast %jit3A_159 : f32 to vector<16xf32>
      %broadcast_in_dim3A_162 = vector.broadcast %jit3A_160 : f32 to vector<16xf32>
      %select_n3A_163 = arith.select %lt3A_158, %broadcast_in_dim3A_161, %broadcast_in_dim3A_162 : vector<16xi1>, vector<16xf32>
      %mul3A_164 = arith.mulf %abs3A_155, %select_n3A_163 : vector<16xf32>
      %add3A_165 = arith.addf %scan3A_75, %mul3A_164 : vector<16xf32>
      %mul3A_166 = arith.constant 8 : i32
      %mul3A_167 = arith.muli %scan3A_71, %mul3A_166 : i32
      %add3A_168 = arith.constant 4 : i32
      %add3A_169 = arith.addi %mul3A_167, %add3A_168 : i32
      %mul3A_170 = arith.constant 16 : i32
      %mul3A_171 = arith.muli %add3A_169, %mul3A_170 : i32
      %get3A_172 = arith.index_cast %mul3A_171 : i32 to index
      %get3A_173 = tpu.vector_load %arg5[%get3A_172] {strides = array<i32>} : memref<4096xf32, #tpu.memory_space<vmem>>, vector<16xf32>,
      %get3A_174 = vector.shape_cast %get3A_173 : vector<16xf32> to vector<16xf32>
      %get3A_175 = arith.index_cast %mul3A_171 : i32 to index
      %get3A_176 = tpu.vector_load %arg7[%get3A_175] {strides = array<i32>} : memref<4096xf32, #tpu.memory_space<vmem>>, vector<16xf32>,
      %get3A_177 = vector.shape_cast %get3A_176 : vector<16xf32> to vector<16xf32>
      %sub3A_178 = arith.subf %get3A_174, %get3A_177 : vector<16xf32>
      %abs3A_179 = math.absf %sub3A_178 : vector<16xf32>
      %lt3A_180 = arith.constant 0.00999999977 : f32
      %lt3A_181 = vector.broadcast %lt3A_180 : f32 to vector<16xf32>
      %lt3A_182 = arith.cmpf olt, %get3A_177, %lt3A_181 : vector<16xf32>
      %jit3A_183 = arith.constant 4.000000e+00 : f32
      %jit3A_184 = arith.constant 1.000000e+00 : f32
      %broadcast_in_dim3A_185 = vector.broadcast %jit3A_183 : f32 to vector<16xf32>
      %broadcast_in_dim3A_186 = vector.broadcast %jit3A_184 : f32 to vector<16xf32>
      %select_n3A_187 = arith.select %lt3A_182, %broadcast_in_dim3A_185, %broadcast_in_dim3A_186 : vector<16xi1>, vector<16xf32>
      %mul3A_188 = arith.mulf %abs3A_179, %select_n3A_187 : vector<16xf32>
      %add3A_189 = arith.addf %add3A_93, %mul3A_188 : vector<16xf32>
      %mul3A_190 = arith.constant 8 : i32
      %mul3A_191 = arith.muli %scan3A_71, %mul3A_190 : i32
      %add3A_192 = arith.constant 5 : i32
      %add3A_193 = arith.addi %mul3A_191, %add3A_192 : i32
      %mul3A_194 = arith.constant 16 : i32
      %mul3A_195 = arith.muli %add3A_193, %mul3A_194 : i32
      %get3A_196 = arith.index_cast %mul3A_195 : i32 to index
      %get3A_197 = tpu.vector_load %arg5[%get3A_196] {strides = array<i32>} : memref<4096xf32, #tpu.memory_space<vmem>>, vector<16xf32>,
      %get3A_198 = vector.shape_cast %get3A_197 : vector<16xf32> to vector<16xf32>
      %get3A_199 = arith.index_cast %mul3A_195 : i32 to index
      %get3A_200 = tpu.vector_load %arg7[%get3A_199] {strides = array<i32>} : memref<4096xf32, #tpu.memory_space<vmem>>, vector<16xf32>,
      %get3A_201 = vector.shape_cast %get3A_200 : vector<16xf32> to vector<16xf32>
      %sub3A_202 = arith.subf %get3A_198, %get3A_201 : vector<16xf32>
      %abs3A_203 = math.absf %sub3A_202 : vector<16xf32>
      %lt3A_204 = arith.constant 0.00999999977 : f32
      %lt3A_205 = vector.broadcast %lt3A_204 : f32 to vector<16xf32>
      %lt3A_206 = arith.cmpf olt, %get3A_201, %lt3A_205 : vector<16xf32>
      %jit3A_207 = arith.constant 4.000000e+00 : f32
      %jit3A_208 = arith.constant 1.000000e+00 : f32
      %broadcast_in_dim3A_209 = vector.broadcast %jit3A_207 : f32 to vector<16xf32>
      %broadcast_in_dim3A_210 = vector.broadcast %jit3A_208 : f32 to vector<16xf32>
      %select_n3A_211 = arith.select %lt3A_206, %broadcast_in_dim3A_209, %broadcast_in_dim3A_210 : vector<16xi1>, vector<16xf32>
      %mul3A_212 = arith.mulf %abs3A_203, %select_n3A_211 : vector<16xf32>
      %add3A_213 = arith.addf %add3A_117, %mul3A_212 : vector<16xf32>
      %mul3A_214 = arith.constant 8 : i32
      %mul3A_215 = arith.muli %scan3A_71, %mul3A_214 : i32
      %add3A_216 = arith.constant 6 : i32
      %add3A_217 = arith.addi %mul3A_215, %add3A_216 : i32
      %mul3A_218 = arith.constant 16 : i32
      %mul3A_219 = arith.muli %add3A_217, %mul3A_218 : i32
      %get3A_220 = arith.index_cast %mul3A_219 : i32 to index
      %get3A_221 = tpu.vector_load %arg5[%get3A_220] {strides = array<i32>} : memref<4096xf32, #tpu.memory_space<vmem>>, vector<16xf32>,
      %get3A_222 = vector.shape_cast %get3A_221 : vector<16xf32> to vector<16xf32>
      %get3A_223 = arith.index_cast %mul3A_219 : i32 to index
      %get3A_224 = tpu.vector_load %arg7[%get3A_223] {strides = array<i32>} : memref<4096xf32, #tpu.memory_space<vmem>>, vector<16xf32>,
      %get3A_225 = vector.shape_cast %get3A_224 : vector<16xf32> to vector<16xf32>
      %sub3A_226 = arith.subf %get3A_222, %get3A_225 : vector<16xf32>
      %abs3A_227 = math.absf %sub3A_226 : vector<16xf32>
      %lt3A_228 = arith.constant 0.00999999977 : f32
      %lt3A_229 = vector.broadcast %lt3A_228 : f32 to vector<16xf32>
      %lt3A_230 = arith.cmpf olt, %get3A_225, %lt3A_229 : vector<16xf32>
      %jit3A_231 = arith.constant 4.000000e+00 : f32
      %jit3A_232 = arith.constant 1.000000e+00 : f32
      %broadcast_in_dim3A_233 = vector.broadcast %jit3A_231 : f32 to vector<16xf32>
      %broadcast_in_dim3A_234 = vector.broadcast %jit3A_232 : f32 to vector<16xf32>
      %select_n3A_235 = arith.select %lt3A_230, %broadcast_in_dim3A_233, %broadcast_in_dim3A_234 : vector<16xi1>, vector<16xf32>
      %mul3A_236 = arith.mulf %abs3A_227, %select_n3A_235 : vector<16xf32>
      %add3A_237 = arith.addf %add3A_141, %mul3A_236 : vector<16xf32>
      %mul3A_238 = arith.constant 8 : i32
      %mul3A_239 = arith.muli %scan3A_71, %mul3A_238 : i32
      %add3A_240 = arith.constant 7 : i32
      %add3A_241 = arith.addi %mul3A_239, %add3A_240 : i32
      %mul3A_242 = arith.constant 16 : i32
      %mul3A_243 = arith.muli %add3A_241, %mul3A_242 : i32
      %get3A_244 = arith.index_cast %mul3A_243 : i32 to index
      %get3A_245 = tpu.vector_load %arg5[%get3A_244] {strides = array<i32>} : memref<4096xf32, #tpu.memory_space<vmem>>, vector<16xf32>,
      %get3A_246 = vector.shape_cast %get3A_245 : vector<16xf32> to vector<16xf32>
      %get3A_247 = arith.index_cast %mul3A_243 : i32 to index
      %get3A_248 = tpu.vector_load %arg7[%get3A_247] {strides = array<i32>} : memref<4096xf32, #tpu.memory_space<vmem>>, vector<16xf32>,
      %get3A_249 = vector.shape_cast %get3A_248 : vector<16xf32> to vector<16xf32>
      %sub3A_250 = arith.subf %get3A_246, %get3A_249 : vector<16xf32>
      %abs3A_251 = math.absf %sub3A_250 : vector<16xf32>
      %lt3A_252 = arith.constant 0.00999999977 : f32
      %lt3A_253 = vector.broadcast %lt3A_252 : f32 to vector<16xf32>
      %lt3A_254 = arith.cmpf olt, %get3A_249, %lt3A_253 : vector<16xf32>
      %jit3A_255 = arith.constant 4.000000e+00 : f32
      %jit3A_256 = arith.constant 1.000000e+00 : f32
      %broadcast_in_dim3A_257 = vector.broadcast %jit3A_255 : f32 to vector<16xf32>
      %broadcast_in_dim3A_258 = vector.broadcast %jit3A_256 : f32 to vector<16xf32>
      %select_n3A_259 = arith.select %lt3A_254, %broadcast_in_dim3A_257, %broadcast_in_dim3A_258 : vector<16xi1>, vector<16xf32>
      %mul3A_260 = arith.mulf %abs3A_251, %select_n3A_259 : vector<16xf32>
      %add3A_261 = arith.addf %add3A_165, %mul3A_260 : vector<16xf32>
      scf.yield %add3A_189, %add3A_213, %add3A_237, %add3A_261 : vector<16xf32>, vector<16xf32>, vector<16xf32>, vector<16xf32>
    }
    %scan3A_22 = arith.constant 32 : i32
    %add3A_23 = arith.constant 8192 : i32
    %add3A_24 = arith.addi %mul3A_2, %add3A_23 : i32
    %dma_start3A_25 = tpu.memref_slice %arg2[%add3A_24] : memref<524288xf32, #tpu.memory_space<hbm>> -> memref<4096xf32, #tpu.memory_space<hbm>>
    %dma_start3A_26 = tpu.memref_slice %arg2[%add3A_24] : memref<524288xf32, #tpu.memory_space<hbm>> -> memref<4096xf32, #tpu.memory_space<hbm>>
    tpu.enqueue_dma source(%dma_start3A_26 : memref<4096xf32, #tpu.memory_space<hbm>>) target(%arg5 : memref<4096xf32, #tpu.memory_space<vmem>>) target_semaphore(%arg10 : memref<!tpu.dma_semaphore, #tpu.memory_space<semaphore_mem>>)
    %dma_start3A_27 = tpu.memref_slice %arg3[%add3A_24] : memref<524288xf32, #tpu.memory_space<hbm>> -> memref<4096xf32, #tpu.memory_space<hbm>>
    %dma_start3A_28 = tpu.memref_slice %arg3[%add3A_24] : memref<524288xf32, #tpu.memory_space<hbm>> -> memref<4096xf32, #tpu.memory_space<hbm>>
    tpu.enqueue_dma source(%dma_start3A_28 : memref<4096xf32, #tpu.memory_space<hbm>>) target(%arg7 : memref<4096xf32, #tpu.memory_space<vmem>>) target_semaphore(%arg12 : memref<!tpu.dma_semaphore, #tpu.memory_space<semaphore_mem>>)
    %dma_wait3A_29 = tpu.memref_slice %arg2[%add3A_10] : memref<524288xf32, #tpu.memory_space<hbm>> -> memref<4096xf32, #tpu.memory_space<hbm>>
    %dma_wait3A_30 = tpu.memref_slice %arg2[%add3A_10] : memref<524288xf32, #tpu.memory_space<hbm>> -> memref<4096xf32, #tpu.memory_space<hbm>>
    tpu.wait_dma2 semaphore(%arg11 : memref<!tpu.dma_semaphore, #tpu.memory_space<semaphore_mem>>) src(%dma_wait3A_30 : memref<4096xf32, #tpu.memory_space<hbm>>) dst(%arg6 : memref<4096xf32, #tpu.memory_space<vmem>>)
    %dma_wait3A_31 = tpu.memref_slice %arg3[%add3A_10] : memref<524288xf32, #tpu.memory_space<hbm>> -> memref<4096xf32, #tpu.memory_space<hbm>>
    %dma_wait3A_32 = tpu.memref_slice %arg3[%add3A_10] : memref<524288xf32, #tpu.memory_space<hbm>> -> memref<4096xf32, #tpu.memory_space<hbm>>
    tpu.wait_dma2 semaphore(%arg13 : memref<!tpu.dma_semaphore, #tpu.memory_space<semaphore_mem>>) src(%dma_wait3A_32 : memref<4096xf32, #tpu.memory_space<hbm>>) dst(%arg8 : memref<4096xf32, #tpu.memory_space<vmem>>)
    %scan3A_33 = arith.constant 0 : i32
    %scan3A_34 = arith.constant 32 : i32
    %scan3A_35 = arith.addi %scan3A_33, %scan3A_34 : i32
    %scan3A_36 = arith.constant 1 : i32
    %scan3A_37:4 = scf.for %scan3A_71 = %scan3A_33 to %scan3A_35 step %scan3A_36 iter_args(%scan3A_72 = %scan3A_21#0, %scan3A_73 = %scan3A_21#1, %scan3A_74 = %scan3A_21#2, %scan3A_75 = %scan3A_21#3) -> (vector<16xf32>, vector<16xf32>, vector<16xf32>, vector<16xf32>)  : i32 {
      %mul3A_76 = arith.constant 8 : i32
      %mul3A_77 = arith.muli %scan3A_71, %mul3A_76 : i32
      %add3A_78 = arith.constant 0 : i32
      %add3A_79 = arith.addi %mul3A_77, %add3A_78 : i32
      %mul3A_80 = arith.constant 16 : i32
      %mul3A_81 = arith.muli %add3A_79, %mul3A_80 : i32
      %get3A = arith.index_cast %mul3A_81 : i32 to index
      %get3A_82 = tpu.vector_load %arg6[%get3A] {strides = array<i32>} : memref<4096xf32, #tpu.memory_space<vmem>>, vector<16xf32>,
      %get3A_83 = vector.shape_cast %get3A_82 : vector<16xf32> to vector<16xf32>
      %get3A_84 = arith.index_cast %mul3A_81 : i32 to index
      %get3A_85 = tpu.vector_load %arg8[%get3A_84] {strides = array<i32>} : memref<4096xf32, #tpu.memory_space<vmem>>, vector<16xf32>,
      %get3A_86 = vector.shape_cast %get3A_85 : vector<16xf32> to vector<16xf32>
      %sub3A = arith.subf %get3A_83, %get3A_86 : vector<16xf32>
      %abs3A = math.absf %sub3A : vector<16xf32>
      %lt3A = arith.constant 0.00999999977 : f32
      %lt3A_87 = vector.broadcast %lt3A : f32 to vector<16xf32>
      %lt3A_88 = arith.cmpf olt, %get3A_86, %lt3A_87 : vector<16xf32>
      %jit3A = arith.constant 4.000000e+00 : f32
      %jit3A_89 = arith.constant 1.000000e+00 : f32
      %broadcast_in_dim3A_90 = vector.broadcast %jit3A : f32 to vector<16xf32>
      %broadcast_in_dim3A_91 = vector.broadcast %jit3A_89 : f32 to vector<16xf32>
      %select_n3A = arith.select %lt3A_88, %broadcast_in_dim3A_90, %broadcast_in_dim3A_91 : vector<16xi1>, vector<16xf32>
      %mul3A_92 = arith.mulf %abs3A, %select_n3A : vector<16xf32>
      %add3A_93 = arith.addf %scan3A_72, %mul3A_92 : vector<16xf32>
      %mul3A_94 = arith.constant 8 : i32
      %mul3A_95 = arith.muli %scan3A_71, %mul3A_94 : i32
      %add3A_96 = arith.constant 1 : i32
      %add3A_97 = arith.addi %mul3A_95, %add3A_96 : i32
      %mul3A_98 = arith.constant 16 : i32
      %mul3A_99 = arith.muli %add3A_97, %mul3A_98 : i32
      %get3A_100 = arith.index_cast %mul3A_99 : i32 to index
      %get3A_101 = tpu.vector_load %arg6[%get3A_100] {strides = array<i32>} : memref<4096xf32, #tpu.memory_space<vmem>>, vector<16xf32>,
      %get3A_102 = vector.shape_cast %get3A_101 : vector<16xf32> to vector<16xf32>
      %get3A_103 = arith.index_cast %mul3A_99 : i32 to index
      %get3A_104 = tpu.vector_load %arg8[%get3A_103] {strides = array<i32>} : memref<4096xf32, #tpu.memory_space<vmem>>, vector<16xf32>,
      %get3A_105 = vector.shape_cast %get3A_104 : vector<16xf32> to vector<16xf32>
      %sub3A_106 = arith.subf %get3A_102, %get3A_105 : vector<16xf32>
      %abs3A_107 = math.absf %sub3A_106 : vector<16xf32>
      %lt3A_108 = arith.constant 0.00999999977 : f32
      %lt3A_109 = vector.broadcast %lt3A_108 : f32 to vector<16xf32>
      %lt3A_110 = arith.cmpf olt, %get3A_105, %lt3A_109 : vector<16xf32>
      %jit3A_111 = arith.constant 4.000000e+00 : f32
      %jit3A_112 = arith.constant 1.000000e+00 : f32
      %broadcast_in_dim3A_113 = vector.broadcast %jit3A_111 : f32 to vector<16xf32>
      %broadcast_in_dim3A_114 = vector.broadcast %jit3A_112 : f32 to vector<16xf32>
      %select_n3A_115 = arith.select %lt3A_110, %broadcast_in_dim3A_113, %broadcast_in_dim3A_114 : vector<16xi1>, vector<16xf32>
      %mul3A_116 = arith.mulf %abs3A_107, %select_n3A_115 : vector<16xf32>
      %add3A_117 = arith.addf %scan3A_73, %mul3A_116 : vector<16xf32>
      %mul3A_118 = arith.constant 8 : i32
      %mul3A_119 = arith.muli %scan3A_71, %mul3A_118 : i32
      %add3A_120 = arith.constant 2 : i32
      %add3A_121 = arith.addi %mul3A_119, %add3A_120 : i32
      %mul3A_122 = arith.constant 16 : i32
      %mul3A_123 = arith.muli %add3A_121, %mul3A_122 : i32
      %get3A_124 = arith.index_cast %mul3A_123 : i32 to index
      %get3A_125 = tpu.vector_load %arg6[%get3A_124] {strides = array<i32>} : memref<4096xf32, #tpu.memory_space<vmem>>, vector<16xf32>,
      %get3A_126 = vector.shape_cast %get3A_125 : vector<16xf32> to vector<16xf32>
      %get3A_127 = arith.index_cast %mul3A_123 : i32 to index
      %get3A_128 = tpu.vector_load %arg8[%get3A_127] {strides = array<i32>} : memref<4096xf32, #tpu.memory_space<vmem>>, vector<16xf32>,
      %get3A_129 = vector.shape_cast %get3A_128 : vector<16xf32> to vector<16xf32>
      %sub3A_130 = arith.subf %get3A_126, %get3A_129 : vector<16xf32>
      %abs3A_131 = math.absf %sub3A_130 : vector<16xf32>
      %lt3A_132 = arith.constant 0.00999999977 : f32
      %lt3A_133 = vector.broadcast %lt3A_132 : f32 to vector<16xf32>
      %lt3A_134 = arith.cmpf olt, %get3A_129, %lt3A_133 : vector<16xf32>
      %jit3A_135 = arith.constant 4.000000e+00 : f32
      %jit3A_136 = arith.constant 1.000000e+00 : f32
      %broadcast_in_dim3A_137 = vector.broadcast %jit3A_135 : f32 to vector<16xf32>
      %broadcast_in_dim3A_138 = vector.broadcast %jit3A_136 : f32 to vector<16xf32>
      %select_n3A_139 = arith.select %lt3A_134, %broadcast_in_dim3A_137, %broadcast_in_dim3A_138 : vector<16xi1>, vector<16xf32>
      %mul3A_140 = arith.mulf %abs3A_131, %select_n3A_139 : vector<16xf32>
      %add3A_141 = arith.addf %scan3A_74, %mul3A_140 : vector<16xf32>
      %mul3A_142 = arith.constant 8 : i32
      %mul3A_143 = arith.muli %scan3A_71, %mul3A_142 : i32
      %add3A_144 = arith.constant 3 : i32
      %add3A_145 = arith.addi %mul3A_143, %add3A_144 : i32
      %mul3A_146 = arith.constant 16 : i32
      %mul3A_147 = arith.muli %add3A_145, %mul3A_146 : i32
      %get3A_148 = arith.index_cast %mul3A_147 : i32 to index
      %get3A_149 = tpu.vector_load %arg6[%get3A_148] {strides = array<i32>} : memref<4096xf32, #tpu.memory_space<vmem>>, vector<16xf32>,
      %get3A_150 = vector.shape_cast %get3A_149 : vector<16xf32> to vector<16xf32>
      %get3A_151 = arith.index_cast %mul3A_147 : i32 to index
      %get3A_152 = tpu.vector_load %arg8[%get3A_151] {strides = array<i32>} : memref<4096xf32, #tpu.memory_space<vmem>>, vector<16xf32>,
      %get3A_153 = vector.shape_cast %get3A_152 : vector<16xf32> to vector<16xf32>
      %sub3A_154 = arith.subf %get3A_150, %get3A_153 : vector<16xf32>
      %abs3A_155 = math.absf %sub3A_154 : vector<16xf32>
      %lt3A_156 = arith.constant 0.00999999977 : f32
      %lt3A_157 = vector.broadcast %lt3A_156 : f32 to vector<16xf32>
      %lt3A_158 = arith.cmpf olt, %get3A_153, %lt3A_157 : vector<16xf32>
      %jit3A_159 = arith.constant 4.000000e+00 : f32
      %jit3A_160 = arith.constant 1.000000e+00 : f32
      %broadcast_in_dim3A_161 = vector.broadcast %jit3A_159 : f32 to vector<16xf32>
      %broadcast_in_dim3A_162 = vector.broadcast %jit3A_160 : f32 to vector<16xf32>
      %select_n3A_163 = arith.select %lt3A_158, %broadcast_in_dim3A_161, %broadcast_in_dim3A_162 : vector<16xi1>, vector<16xf32>
      %mul3A_164 = arith.mulf %abs3A_155, %select_n3A_163 : vector<16xf32>
      %add3A_165 = arith.addf %scan3A_75, %mul3A_164 : vector<16xf32>
      %mul3A_166 = arith.constant 8 : i32
      %mul3A_167 = arith.muli %scan3A_71, %mul3A_166 : i32
      %add3A_168 = arith.constant 4 : i32
      %add3A_169 = arith.addi %mul3A_167, %add3A_168 : i32
      %mul3A_170 = arith.constant 16 : i32
      %mul3A_171 = arith.muli %add3A_169, %mul3A_170 : i32
      %get3A_172 = arith.index_cast %mul3A_171 : i32 to index
      %get3A_173 = tpu.vector_load %arg6[%get3A_172] {strides = array<i32>} : memref<4096xf32, #tpu.memory_space<vmem>>, vector<16xf32>,
      %get3A_174 = vector.shape_cast %get3A_173 : vector<16xf32> to vector<16xf32>
      %get3A_175 = arith.index_cast %mul3A_171 : i32 to index
      %get3A_176 = tpu.vector_load %arg8[%get3A_175] {strides = array<i32>} : memref<4096xf32, #tpu.memory_space<vmem>>, vector<16xf32>,
      %get3A_177 = vector.shape_cast %get3A_176 : vector<16xf32> to vector<16xf32>
      %sub3A_178 = arith.subf %get3A_174, %get3A_177 : vector<16xf32>
      %abs3A_179 = math.absf %sub3A_178 : vector<16xf32>
      %lt3A_180 = arith.constant 0.00999999977 : f32
      %lt3A_181 = vector.broadcast %lt3A_180 : f32 to vector<16xf32>
      %lt3A_182 = arith.cmpf olt, %get3A_177, %lt3A_181 : vector<16xf32>
      %jit3A_183 = arith.constant 4.000000e+00 : f32
      %jit3A_184 = arith.constant 1.000000e+00 : f32
      %broadcast_in_dim3A_185 = vector.broadcast %jit3A_183 : f32 to vector<16xf32>
      %broadcast_in_dim3A_186 = vector.broadcast %jit3A_184 : f32 to vector<16xf32>
      %select_n3A_187 = arith.select %lt3A_182, %broadcast_in_dim3A_185, %broadcast_in_dim3A_186 : vector<16xi1>, vector<16xf32>
      %mul3A_188 = arith.mulf %abs3A_179, %select_n3A_187 : vector<16xf32>
      %add3A_189 = arith.addf %add3A_93, %mul3A_188 : vector<16xf32>
      %mul3A_190 = arith.constant 8 : i32
      %mul3A_191 = arith.muli %scan3A_71, %mul3A_190 : i32
      %add3A_192 = arith.constant 5 : i32
      %add3A_193 = arith.addi %mul3A_191, %add3A_192 : i32
      %mul3A_194 = arith.constant 16 : i32
      %mul3A_195 = arith.muli %add3A_193, %mul3A_194 : i32
      %get3A_196 = arith.index_cast %mul3A_195 : i32 to index
      %get3A_197 = tpu.vector_load %arg6[%get3A_196] {strides = array<i32>} : memref<4096xf32, #tpu.memory_space<vmem>>, vector<16xf32>,
      %get3A_198 = vector.shape_cast %get3A_197 : vector<16xf32> to vector<16xf32>
      %get3A_199 = arith.index_cast %mul3A_195 : i32 to index
      %get3A_200 = tpu.vector_load %arg8[%get3A_199] {strides = array<i32>} : memref<4096xf32, #tpu.memory_space<vmem>>, vector<16xf32>,
      %get3A_201 = vector.shape_cast %get3A_200 : vector<16xf32> to vector<16xf32>
      %sub3A_202 = arith.subf %get3A_198, %get3A_201 : vector<16xf32>
      %abs3A_203 = math.absf %sub3A_202 : vector<16xf32>
      %lt3A_204 = arith.constant 0.00999999977 : f32
      %lt3A_205 = vector.broadcast %lt3A_204 : f32 to vector<16xf32>
      %lt3A_206 = arith.cmpf olt, %get3A_201, %lt3A_205 : vector<16xf32>
      %jit3A_207 = arith.constant 4.000000e+00 : f32
      %jit3A_208 = arith.constant 1.000000e+00 : f32
      %broadcast_in_dim3A_209 = vector.broadcast %jit3A_207 : f32 to vector<16xf32>
      %broadcast_in_dim3A_210 = vector.broadcast %jit3A_208 : f32 to vector<16xf32>
      %select_n3A_211 = arith.select %lt3A_206, %broadcast_in_dim3A_209, %broadcast_in_dim3A_210 : vector<16xi1>, vector<16xf32>
      %mul3A_212 = arith.mulf %abs3A_203, %select_n3A_211 : vector<16xf32>
      %add3A_213 = arith.addf %add3A_117, %mul3A_212 : vector<16xf32>
      %mul3A_214 = arith.constant 8 : i32
      %mul3A_215 = arith.muli %scan3A_71, %mul3A_214 : i32
      %add3A_216 = arith.constant 6 : i32
      %add3A_217 = arith.addi %mul3A_215, %add3A_216 : i32
      %mul3A_218 = arith.constant 16 : i32
      %mul3A_219 = arith.muli %add3A_217, %mul3A_218 : i32
      %get3A_220 = arith.index_cast %mul3A_219 : i32 to index
      %get3A_221 = tpu.vector_load %arg6[%get3A_220] {strides = array<i32>} : memref<4096xf32, #tpu.memory_space<vmem>>, vector<16xf32>,
      %get3A_222 = vector.shape_cast %get3A_221 : vector<16xf32> to vector<16xf32>
      %get3A_223 = arith.index_cast %mul3A_219 : i32 to index
      %get3A_224 = tpu.vector_load %arg8[%get3A_223] {strides = array<i32>} : memref<4096xf32, #tpu.memory_space<vmem>>, vector<16xf32>,
      %get3A_225 = vector.shape_cast %get3A_224 : vector<16xf32> to vector<16xf32>
      %sub3A_226 = arith.subf %get3A_222, %get3A_225 : vector<16xf32>
      %abs3A_227 = math.absf %sub3A_226 : vector<16xf32>
      %lt3A_228 = arith.constant 0.00999999977 : f32
      %lt3A_229 = vector.broadcast %lt3A_228 : f32 to vector<16xf32>
      %lt3A_230 = arith.cmpf olt, %get3A_225, %lt3A_229 : vector<16xf32>
      %jit3A_231 = arith.constant 4.000000e+00 : f32
      %jit3A_232 = arith.constant 1.000000e+00 : f32
      %broadcast_in_dim3A_233 = vector.broadcast %jit3A_231 : f32 to vector<16xf32>
      %broadcast_in_dim3A_234 = vector.broadcast %jit3A_232 : f32 to vector<16xf32>
      %select_n3A_235 = arith.select %lt3A_230, %broadcast_in_dim3A_233, %broadcast_in_dim3A_234 : vector<16xi1>, vector<16xf32>
      %mul3A_236 = arith.mulf %abs3A_227, %select_n3A_235 : vector<16xf32>
      %add3A_237 = arith.addf %add3A_141, %mul3A_236 : vector<16xf32>
      %mul3A_238 = arith.constant 8 : i32
      %mul3A_239 = arith.muli %scan3A_71, %mul3A_238 : i32
      %add3A_240 = arith.constant 7 : i32
      %add3A_241 = arith.addi %mul3A_239, %add3A_240 : i32
      %mul3A_242 = arith.constant 16 : i32
      %mul3A_243 = arith.muli %add3A_241, %mul3A_242 : i32
      %get3A_244 = arith.index_cast %mul3A_243 : i32 to index
      %get3A_245 = tpu.vector_load %arg6[%get3A_244] {strides = array<i32>} : memref<4096xf32, #tpu.memory_space<vmem>>, vector<16xf32>,
      %get3A_246 = vector.shape_cast %get3A_245 : vector<16xf32> to vector<16xf32>
      %get3A_247 = arith.index_cast %mul3A_243 : i32 to index
      %get3A_248 = tpu.vector_load %arg8[%get3A_247] {strides = array<i32>} : memref<4096xf32, #tpu.memory_space<vmem>>, vector<16xf32>,
      %get3A_249 = vector.shape_cast %get3A_248 : vector<16xf32> to vector<16xf32>
      %sub3A_250 = arith.subf %get3A_246, %get3A_249 : vector<16xf32>
      %abs3A_251 = math.absf %sub3A_250 : vector<16xf32>
      %lt3A_252 = arith.constant 0.00999999977 : f32
      %lt3A_253 = vector.broadcast %lt3A_252 : f32 to vector<16xf32>
      %lt3A_254 = arith.cmpf olt, %get3A_249, %lt3A_253 : vector<16xf32>
      %jit3A_255 = arith.constant 4.000000e+00 : f32
      %jit3A_256 = arith.constant 1.000000e+00 : f32
      %broadcast_in_dim3A_257 = vector.broadcast %jit3A_255 : f32 to vector<16xf32>
      %broadcast_in_dim3A_258 = vector.broadcast %jit3A_256 : f32 to vector<16xf32>
      %select_n3A_259 = arith.select %lt3A_254, %broadcast_in_dim3A_257, %broadcast_in_dim3A_258 : vector<16xi1>, vector<16xf32>
      %mul3A_260 = arith.mulf %abs3A_251, %select_n3A_259 : vector<16xf32>
      %add3A_261 = arith.addf %add3A_165, %mul3A_260 : vector<16xf32>
      scf.yield %add3A_189, %add3A_213, %add3A_237, %add3A_261 : vector<16xf32>, vector<16xf32>, vector<16xf32>, vector<16xf32>
    }
    %scan3A_38 = arith.constant 32 : i32
    %add3A_39 = arith.constant 12288 : i32
    %add3A_40 = arith.addi %mul3A_2, %add3A_39 : i32
    %dma_start3A_41 = tpu.memref_slice %arg2[%add3A_40] : memref<524288xf32, #tpu.memory_space<hbm>> -> memref<4096xf32, #tpu.memory_space<hbm>>
    %dma_start3A_42 = tpu.memref_slice %arg2[%add3A_40] : memref<524288xf32, #tpu.memory_space<hbm>> -> memref<4096xf32, #tpu.memory_space<hbm>>
    tpu.enqueue_dma source(%dma_start3A_42 : memref<4096xf32, #tpu.memory_space<hbm>>) target(%arg6 : memref<4096xf32, #tpu.memory_space<vmem>>) target_semaphore(%arg11 : memref<!tpu.dma_semaphore, #tpu.memory_space<semaphore_mem>>)
    %dma_start3A_43 = tpu.memref_slice %arg3[%add3A_40] : memref<524288xf32, #tpu.memory_space<hbm>> -> memref<4096xf32, #tpu.memory_space<hbm>>
    %dma_start3A_44 = tpu.memref_slice %arg3[%add3A_40] : memref<524288xf32, #tpu.memory_space<hbm>> -> memref<4096xf32, #tpu.memory_space<hbm>>
    tpu.enqueue_dma source(%dma_start3A_44 : memref<4096xf32, #tpu.memory_space<hbm>>) target(%arg8 : memref<4096xf32, #tpu.memory_space<vmem>>) target_semaphore(%arg13 : memref<!tpu.dma_semaphore, #tpu.memory_space<semaphore_mem>>)
    %dma_wait3A_45 = tpu.memref_slice %arg2[%add3A_24] : memref<524288xf32, #tpu.memory_space<hbm>> -> memref<4096xf32, #tpu.memory_space<hbm>>
    %dma_wait3A_46 = tpu.memref_slice %arg2[%add3A_24] : memref<524288xf32, #tpu.memory_space<hbm>> -> memref<4096xf32, #tpu.memory_space<hbm>>
    tpu.wait_dma2 semaphore(%arg10 : memref<!tpu.dma_semaphore, #tpu.memory_space<semaphore_mem>>) src(%dma_wait3A_46 : memref<4096xf32, #tpu.memory_space<hbm>>) dst(%arg5 : memref<4096xf32, #tpu.memory_space<vmem>>)
    %dma_wait3A_47 = tpu.memref_slice %arg3[%add3A_24] : memref<524288xf32, #tpu.memory_space<hbm>> -> memref<4096xf32, #tpu.memory_space<hbm>>
    %dma_wait3A_48 = tpu.memref_slice %arg3[%add3A_24] : memref<524288xf32, #tpu.memory_space<hbm>> -> memref<4096xf32, #tpu.memory_space<hbm>>
    tpu.wait_dma2 semaphore(%arg12 : memref<!tpu.dma_semaphore, #tpu.memory_space<semaphore_mem>>) src(%dma_wait3A_48 : memref<4096xf32, #tpu.memory_space<hbm>>) dst(%arg7 : memref<4096xf32, #tpu.memory_space<vmem>>)
    %scan3A_49 = arith.constant 0 : i32
    %scan3A_50 = arith.constant 32 : i32
    %scan3A_51 = arith.addi %scan3A_49, %scan3A_50 : i32
    %scan3A_52 = arith.constant 1 : i32
    %scan3A_53:4 = scf.for %scan3A_71 = %scan3A_49 to %scan3A_51 step %scan3A_52 iter_args(%scan3A_72 = %scan3A_37#0, %scan3A_73 = %scan3A_37#1, %scan3A_74 = %scan3A_37#2, %scan3A_75 = %scan3A_37#3) -> (vector<16xf32>, vector<16xf32>, vector<16xf32>, vector<16xf32>)  : i32 {
      %mul3A_76 = arith.constant 8 : i32
      %mul3A_77 = arith.muli %scan3A_71, %mul3A_76 : i32
      %add3A_78 = arith.constant 0 : i32
      %add3A_79 = arith.addi %mul3A_77, %add3A_78 : i32
      %mul3A_80 = arith.constant 16 : i32
      %mul3A_81 = arith.muli %add3A_79, %mul3A_80 : i32
      %get3A = arith.index_cast %mul3A_81 : i32 to index
      %get3A_82 = tpu.vector_load %arg5[%get3A] {strides = array<i32>} : memref<4096xf32, #tpu.memory_space<vmem>>, vector<16xf32>,
      %get3A_83 = vector.shape_cast %get3A_82 : vector<16xf32> to vector<16xf32>
      %get3A_84 = arith.index_cast %mul3A_81 : i32 to index
      %get3A_85 = tpu.vector_load %arg7[%get3A_84] {strides = array<i32>} : memref<4096xf32, #tpu.memory_space<vmem>>, vector<16xf32>,
      %get3A_86 = vector.shape_cast %get3A_85 : vector<16xf32> to vector<16xf32>
      %sub3A = arith.subf %get3A_83, %get3A_86 : vector<16xf32>
      %abs3A = math.absf %sub3A : vector<16xf32>
      %lt3A = arith.constant 0.00999999977 : f32
      %lt3A_87 = vector.broadcast %lt3A : f32 to vector<16xf32>
      %lt3A_88 = arith.cmpf olt, %get3A_86, %lt3A_87 : vector<16xf32>
      %jit3A = arith.constant 4.000000e+00 : f32
      %jit3A_89 = arith.constant 1.000000e+00 : f32
      %broadcast_in_dim3A_90 = vector.broadcast %jit3A : f32 to vector<16xf32>
      %broadcast_in_dim3A_91 = vector.broadcast %jit3A_89 : f32 to vector<16xf32>
      %select_n3A = arith.select %lt3A_88, %broadcast_in_dim3A_90, %broadcast_in_dim3A_91 : vector<16xi1>, vector<16xf32>
      %mul3A_92 = arith.mulf %abs3A, %select_n3A : vector<16xf32>
      %add3A_93 = arith.addf %scan3A_72, %mul3A_92 : vector<16xf32>
      %mul3A_94 = arith.constant 8 : i32
      %mul3A_95 = arith.muli %scan3A_71, %mul3A_94 : i32
      %add3A_96 = arith.constant 1 : i32
      %add3A_97 = arith.addi %mul3A_95, %add3A_96 : i32
      %mul3A_98 = arith.constant 16 : i32
      %mul3A_99 = arith.muli %add3A_97, %mul3A_98 : i32
      %get3A_100 = arith.index_cast %mul3A_99 : i32 to index
      %get3A_101 = tpu.vector_load %arg5[%get3A_100] {strides = array<i32>} : memref<4096xf32, #tpu.memory_space<vmem>>, vector<16xf32>,
      %get3A_102 = vector.shape_cast %get3A_101 : vector<16xf32> to vector<16xf32>
      %get3A_103 = arith.index_cast %mul3A_99 : i32 to index
      %get3A_104 = tpu.vector_load %arg7[%get3A_103] {strides = array<i32>} : memref<4096xf32, #tpu.memory_space<vmem>>, vector<16xf32>,
      %get3A_105 = vector.shape_cast %get3A_104 : vector<16xf32> to vector<16xf32>
      %sub3A_106 = arith.subf %get3A_102, %get3A_105 : vector<16xf32>
      %abs3A_107 = math.absf %sub3A_106 : vector<16xf32>
      %lt3A_108 = arith.constant 0.00999999977 : f32
      %lt3A_109 = vector.broadcast %lt3A_108 : f32 to vector<16xf32>
      %lt3A_110 = arith.cmpf olt, %get3A_105, %lt3A_109 : vector<16xf32>
      %jit3A_111 = arith.constant 4.000000e+00 : f32
      %jit3A_112 = arith.constant 1.000000e+00 : f32
      %broadcast_in_dim3A_113 = vector.broadcast %jit3A_111 : f32 to vector<16xf32>
      %broadcast_in_dim3A_114 = vector.broadcast %jit3A_112 : f32 to vector<16xf32>
      %select_n3A_115 = arith.select %lt3A_110, %broadcast_in_dim3A_113, %broadcast_in_dim3A_114 : vector<16xi1>, vector<16xf32>
      %mul3A_116 = arith.mulf %abs3A_107, %select_n3A_115 : vector<16xf32>
      %add3A_117 = arith.addf %scan3A_73, %mul3A_116 : vector<16xf32>
      %mul3A_118 = arith.constant 8 : i32
      %mul3A_119 = arith.muli %scan3A_71, %mul3A_118 : i32
      %add3A_120 = arith.constant 2 : i32
      %add3A_121 = arith.addi %mul3A_119, %add3A_120 : i32
      %mul3A_122 = arith.constant 16 : i32
      %mul3A_123 = arith.muli %add3A_121, %mul3A_122 : i32
      %get3A_124 = arith.index_cast %mul3A_123 : i32 to index
      %get3A_125 = tpu.vector_load %arg5[%get3A_124] {strides = array<i32>} : memref<4096xf32, #tpu.memory_space<vmem>>, vector<16xf32>,
      %get3A_126 = vector.shape_cast %get3A_125 : vector<16xf32> to vector<16xf32>
      %get3A_127 = arith.index_cast %mul3A_123 : i32 to index
      %get3A_128 = tpu.vector_load %arg7[%get3A_127] {strides = array<i32>} : memref<4096xf32, #tpu.memory_space<vmem>>, vector<16xf32>,
      %get3A_129 = vector.shape_cast %get3A_128 : vector<16xf32> to vector<16xf32>
      %sub3A_130 = arith.subf %get3A_126, %get3A_129 : vector<16xf32>
      %abs3A_131 = math.absf %sub3A_130 : vector<16xf32>
      %lt3A_132 = arith.constant 0.00999999977 : f32
      %lt3A_133 = vector.broadcast %lt3A_132 : f32 to vector<16xf32>
      %lt3A_134 = arith.cmpf olt, %get3A_129, %lt3A_133 : vector<16xf32>
      %jit3A_135 = arith.constant 4.000000e+00 : f32
      %jit3A_136 = arith.constant 1.000000e+00 : f32
      %broadcast_in_dim3A_137 = vector.broadcast %jit3A_135 : f32 to vector<16xf32>
      %broadcast_in_dim3A_138 = vector.broadcast %jit3A_136 : f32 to vector<16xf32>
      %select_n3A_139 = arith.select %lt3A_134, %broadcast_in_dim3A_137, %broadcast_in_dim3A_138 : vector<16xi1>, vector<16xf32>
      %mul3A_140 = arith.mulf %abs3A_131, %select_n3A_139 : vector<16xf32>
      %add3A_141 = arith.addf %scan3A_74, %mul3A_140 : vector<16xf32>
      %mul3A_142 = arith.constant 8 : i32
      %mul3A_143 = arith.muli %scan3A_71, %mul3A_142 : i32
      %add3A_144 = arith.constant 3 : i32
      %add3A_145 = arith.addi %mul3A_143, %add3A_144 : i32
      %mul3A_146 = arith.constant 16 : i32
      %mul3A_147 = arith.muli %add3A_145, %mul3A_146 : i32
      %get3A_148 = arith.index_cast %mul3A_147 : i32 to index
      %get3A_149 = tpu.vector_load %arg5[%get3A_148] {strides = array<i32>} : memref<4096xf32, #tpu.memory_space<vmem>>, vector<16xf32>,
      %get3A_150 = vector.shape_cast %get3A_149 : vector<16xf32> to vector<16xf32>
      %get3A_151 = arith.index_cast %mul3A_147 : i32 to index
      %get3A_152 = tpu.vector_load %arg7[%get3A_151] {strides = array<i32>} : memref<4096xf32, #tpu.memory_space<vmem>>, vector<16xf32>,
      %get3A_153 = vector.shape_cast %get3A_152 : vector<16xf32> to vector<16xf32>
      %sub3A_154 = arith.subf %get3A_150, %get3A_153 : vector<16xf32>
      %abs3A_155 = math.absf %sub3A_154 : vector<16xf32>
      %lt3A_156 = arith.constant 0.00999999977 : f32
      %lt3A_157 = vector.broadcast %lt3A_156 : f32 to vector<16xf32>
      %lt3A_158 = arith.cmpf olt, %get3A_153, %lt3A_157 : vector<16xf32>
      %jit3A_159 = arith.constant 4.000000e+00 : f32
      %jit3A_160 = arith.constant 1.000000e+00 : f32
      %broadcast_in_dim3A_161 = vector.broadcast %jit3A_159 : f32 to vector<16xf32>
      %broadcast_in_dim3A_162 = vector.broadcast %jit3A_160 : f32 to vector<16xf32>
      %select_n3A_163 = arith.select %lt3A_158, %broadcast_in_dim3A_161, %broadcast_in_dim3A_162 : vector<16xi1>, vector<16xf32>
      %mul3A_164 = arith.mulf %abs3A_155, %select_n3A_163 : vector<16xf32>
      %add3A_165 = arith.addf %scan3A_75, %mul3A_164 : vector<16xf32>
      %mul3A_166 = arith.constant 8 : i32
      %mul3A_167 = arith.muli %scan3A_71, %mul3A_166 : i32
      %add3A_168 = arith.constant 4 : i32
      %add3A_169 = arith.addi %mul3A_167, %add3A_168 : i32
      %mul3A_170 = arith.constant 16 : i32
      %mul3A_171 = arith.muli %add3A_169, %mul3A_170 : i32
      %get3A_172 = arith.index_cast %mul3A_171 : i32 to index
      %get3A_173 = tpu.vector_load %arg5[%get3A_172] {strides = array<i32>} : memref<4096xf32, #tpu.memory_space<vmem>>, vector<16xf32>,
      %get3A_174 = vector.shape_cast %get3A_173 : vector<16xf32> to vector<16xf32>
      %get3A_175 = arith.index_cast %mul3A_171 : i32 to index
      %get3A_176 = tpu.vector_load %arg7[%get3A_175] {strides = array<i32>} : memref<4096xf32, #tpu.memory_space<vmem>>, vector<16xf32>,
      %get3A_177 = vector.shape_cast %get3A_176 : vector<16xf32> to vector<16xf32>
      %sub3A_178 = arith.subf %get3A_174, %get3A_177 : vector<16xf32>
      %abs3A_179 = math.absf %sub3A_178 : vector<16xf32>
      %lt3A_180 = arith.constant 0.00999999977 : f32
      %lt3A_181 = vector.broadcast %lt3A_180 : f32 to vector<16xf32>
      %lt3A_182 = arith.cmpf olt, %get3A_177, %lt3A_181 : vector<16xf32>
      %jit3A_183 = arith.constant 4.000000e+00 : f32
      %jit3A_184 = arith.constant 1.000000e+00 : f32
      %broadcast_in_dim3A_185 = vector.broadcast %jit3A_183 : f32 to vector<16xf32>
      %broadcast_in_dim3A_186 = vector.broadcast %jit3A_184 : f32 to vector<16xf32>
      %select_n3A_187 = arith.select %lt3A_182, %broadcast_in_dim3A_185, %broadcast_in_dim3A_186 : vector<16xi1>, vector<16xf32>
      %mul3A_188 = arith.mulf %abs3A_179, %select_n3A_187 : vector<16xf32>
      %add3A_189 = arith.addf %add3A_93, %mul3A_188 : vector<16xf32>
      %mul3A_190 = arith.constant 8 : i32
      %mul3A_191 = arith.muli %scan3A_71, %mul3A_190 : i32
      %add3A_192 = arith.constant 5 : i32
      %add3A_193 = arith.addi %mul3A_191, %add3A_192 : i32
      %mul3A_194 = arith.constant 16 : i32
      %mul3A_195 = arith.muli %add3A_193, %mul3A_194 : i32
      %get3A_196 = arith.index_cast %mul3A_195 : i32 to index
      %get3A_197 = tpu.vector_load %arg5[%get3A_196] {strides = array<i32>} : memref<4096xf32, #tpu.memory_space<vmem>>, vector<16xf32>,
      %get3A_198 = vector.shape_cast %get3A_197 : vector<16xf32> to vector<16xf32>
      %get3A_199 = arith.index_cast %mul3A_195 : i32 to index
      %get3A_200 = tpu.vector_load %arg7[%get3A_199] {strides = array<i32>} : memref<4096xf32, #tpu.memory_space<vmem>>, vector<16xf32>,
      %get3A_201 = vector.shape_cast %get3A_200 : vector<16xf32> to vector<16xf32>
      %sub3A_202 = arith.subf %get3A_198, %get3A_201 : vector<16xf32>
      %abs3A_203 = math.absf %sub3A_202 : vector<16xf32>
      %lt3A_204 = arith.constant 0.00999999977 : f32
      %lt3A_205 = vector.broadcast %lt3A_204 : f32 to vector<16xf32>
      %lt3A_206 = arith.cmpf olt, %get3A_201, %lt3A_205 : vector<16xf32>
      %jit3A_207 = arith.constant 4.000000e+00 : f32
      %jit3A_208 = arith.constant 1.000000e+00 : f32
      %broadcast_in_dim3A_209 = vector.broadcast %jit3A_207 : f32 to vector<16xf32>
      %broadcast_in_dim3A_210 = vector.broadcast %jit3A_208 : f32 to vector<16xf32>
      %select_n3A_211 = arith.select %lt3A_206, %broadcast_in_dim3A_209, %broadcast_in_dim3A_210 : vector<16xi1>, vector<16xf32>
      %mul3A_212 = arith.mulf %abs3A_203, %select_n3A_211 : vector<16xf32>
      %add3A_213 = arith.addf %add3A_117, %mul3A_212 : vector<16xf32>
      %mul3A_214 = arith.constant 8 : i32
      %mul3A_215 = arith.muli %scan3A_71, %mul3A_214 : i32
      %add3A_216 = arith.constant 6 : i32
      %add3A_217 = arith.addi %mul3A_215, %add3A_216 : i32
      %mul3A_218 = arith.constant 16 : i32
      %mul3A_219 = arith.muli %add3A_217, %mul3A_218 : i32
      %get3A_220 = arith.index_cast %mul3A_219 : i32 to index
      %get3A_221 = tpu.vector_load %arg5[%get3A_220] {strides = array<i32>} : memref<4096xf32, #tpu.memory_space<vmem>>, vector<16xf32>,
      %get3A_222 = vector.shape_cast %get3A_221 : vector<16xf32> to vector<16xf32>
      %get3A_223 = arith.index_cast %mul3A_219 : i32 to index
      %get3A_224 = tpu.vector_load %arg7[%get3A_223] {strides = array<i32>} : memref<4096xf32, #tpu.memory_space<vmem>>, vector<16xf32>,
      %get3A_225 = vector.shape_cast %get3A_224 : vector<16xf32> to vector<16xf32>
      %sub3A_226 = arith.subf %get3A_222, %get3A_225 : vector<16xf32>
      %abs3A_227 = math.absf %sub3A_226 : vector<16xf32>
      %lt3A_228 = arith.constant 0.00999999977 : f32
      %lt3A_229 = vector.broadcast %lt3A_228 : f32 to vector<16xf32>
      %lt3A_230 = arith.cmpf olt, %get3A_225, %lt3A_229 : vector<16xf32>
      %jit3A_231 = arith.constant 4.000000e+00 : f32
      %jit3A_232 = arith.constant 1.000000e+00 : f32
      %broadcast_in_dim3A_233 = vector.broadcast %jit3A_231 : f32 to vector<16xf32>
      %broadcast_in_dim3A_234 = vector.broadcast %jit3A_232 : f32 to vector<16xf32>
      %select_n3A_235 = arith.select %lt3A_230, %broadcast_in_dim3A_233, %broadcast_in_dim3A_234 : vector<16xi1>, vector<16xf32>
      %mul3A_236 = arith.mulf %abs3A_227, %select_n3A_235 : vector<16xf32>
      %add3A_237 = arith.addf %add3A_141, %mul3A_236 : vector<16xf32>
      %mul3A_238 = arith.constant 8 : i32
      %mul3A_239 = arith.muli %scan3A_71, %mul3A_238 : i32
      %add3A_240 = arith.constant 7 : i32
      %add3A_241 = arith.addi %mul3A_239, %add3A_240 : i32
      %mul3A_242 = arith.constant 16 : i32
      %mul3A_243 = arith.muli %add3A_241, %mul3A_242 : i32
      %get3A_244 = arith.index_cast %mul3A_243 : i32 to index
      %get3A_245 = tpu.vector_load %arg5[%get3A_244] {strides = array<i32>} : memref<4096xf32, #tpu.memory_space<vmem>>, vector<16xf32>,
      %get3A_246 = vector.shape_cast %get3A_245 : vector<16xf32> to vector<16xf32>
      %get3A_247 = arith.index_cast %mul3A_243 : i32 to index
      %get3A_248 = tpu.vector_load %arg7[%get3A_247] {strides = array<i32>} : memref<4096xf32, #tpu.memory_space<vmem>>, vector<16xf32>,
      %get3A_249 = vector.shape_cast %get3A_248 : vector<16xf32> to vector<16xf32>
      %sub3A_250 = arith.subf %get3A_246, %get3A_249 : vector<16xf32>
      %abs3A_251 = math.absf %sub3A_250 : vector<16xf32>
      %lt3A_252 = arith.constant 0.00999999977 : f32
      %lt3A_253 = vector.broadcast %lt3A_252 : f32 to vector<16xf32>
      %lt3A_254 = arith.cmpf olt, %get3A_249, %lt3A_253 : vector<16xf32>
      %jit3A_255 = arith.constant 4.000000e+00 : f32
      %jit3A_256 = arith.constant 1.000000e+00 : f32
      %broadcast_in_dim3A_257 = vector.broadcast %jit3A_255 : f32 to vector<16xf32>
      %broadcast_in_dim3A_258 = vector.broadcast %jit3A_256 : f32 to vector<16xf32>
      %select_n3A_259 = arith.select %lt3A_254, %broadcast_in_dim3A_257, %broadcast_in_dim3A_258 : vector<16xi1>, vector<16xf32>
      %mul3A_260 = arith.mulf %abs3A_251, %select_n3A_259 : vector<16xf32>
      %add3A_261 = arith.addf %add3A_165, %mul3A_260 : vector<16xf32>
      scf.yield %add3A_189, %add3A_213, %add3A_237, %add3A_261 : vector<16xf32>, vector<16xf32>, vector<16xf32>, vector<16xf32>
    }
    %scan3A_54 = arith.constant 32 : i32
    %dma_wait3A_55 = tpu.memref_slice %arg2[%add3A_40] : memref<524288xf32, #tpu.memory_space<hbm>> -> memref<4096xf32, #tpu.memory_space<hbm>>
    %dma_wait3A_56 = tpu.memref_slice %arg2[%add3A_40] : memref<524288xf32, #tpu.memory_space<hbm>> -> memref<4096xf32, #tpu.memory_space<hbm>>
    tpu.wait_dma2 semaphore(%arg11 : memref<!tpu.dma_semaphore, #tpu.memory_space<semaphore_mem>>) src(%dma_wait3A_56 : memref<4096xf32, #tpu.memory_space<hbm>>) dst(%arg6 : memref<4096xf32, #tpu.memory_space<vmem>>)
    %dma_wait3A_57 = tpu.memref_slice %arg3[%add3A_40] : memref<524288xf32, #tpu.memory_space<hbm>> -> memref<4096xf32, #tpu.memory_space<hbm>>
    %dma_wait3A_58 = tpu.memref_slice %arg3[%add3A_40] : memref<524288xf32, #tpu.memory_space<hbm>> -> memref<4096xf32, #tpu.memory_space<hbm>>
    tpu.wait_dma2 semaphore(%arg13 : memref<!tpu.dma_semaphore, #tpu.memory_space<semaphore_mem>>) src(%dma_wait3A_58 : memref<4096xf32, #tpu.memory_space<hbm>>) dst(%arg8 : memref<4096xf32, #tpu.memory_space<vmem>>)
    %scan3A_59 = arith.constant 0 : i32
    %scan3A_60 = arith.constant 32 : i32
    %scan3A_61 = arith.addi %scan3A_59, %scan3A_60 : i32
    %scan3A_62 = arith.constant 1 : i32
    %scan3A_63:4 = scf.for %scan3A_71 = %scan3A_59 to %scan3A_61 step %scan3A_62 iter_args(%scan3A_72 = %scan3A_53#0, %scan3A_73 = %scan3A_53#1, %scan3A_74 = %scan3A_53#2, %scan3A_75 = %scan3A_53#3) -> (vector<16xf32>, vector<16xf32>, vector<16xf32>, vector<16xf32>)  : i32 {
      %mul3A_76 = arith.constant 8 : i32
      %mul3A_77 = arith.muli %scan3A_71, %mul3A_76 : i32
      %add3A_78 = arith.constant 0 : i32
      %add3A_79 = arith.addi %mul3A_77, %add3A_78 : i32
      %mul3A_80 = arith.constant 16 : i32
      %mul3A_81 = arith.muli %add3A_79, %mul3A_80 : i32
      %get3A = arith.index_cast %mul3A_81 : i32 to index
      %get3A_82 = tpu.vector_load %arg6[%get3A] {strides = array<i32>} : memref<4096xf32, #tpu.memory_space<vmem>>, vector<16xf32>,
      %get3A_83 = vector.shape_cast %get3A_82 : vector<16xf32> to vector<16xf32>
      %get3A_84 = arith.index_cast %mul3A_81 : i32 to index
      %get3A_85 = tpu.vector_load %arg8[%get3A_84] {strides = array<i32>} : memref<4096xf32, #tpu.memory_space<vmem>>, vector<16xf32>,
      %get3A_86 = vector.shape_cast %get3A_85 : vector<16xf32> to vector<16xf32>
      %sub3A = arith.subf %get3A_83, %get3A_86 : vector<16xf32>
      %abs3A = math.absf %sub3A : vector<16xf32>
      %lt3A = arith.constant 0.00999999977 : f32
      %lt3A_87 = vector.broadcast %lt3A : f32 to vector<16xf32>
      %lt3A_88 = arith.cmpf olt, %get3A_86, %lt3A_87 : vector<16xf32>
      %jit3A = arith.constant 4.000000e+00 : f32
      %jit3A_89 = arith.constant 1.000000e+00 : f32
      %broadcast_in_dim3A_90 = vector.broadcast %jit3A : f32 to vector<16xf32>
      %broadcast_in_dim3A_91 = vector.broadcast %jit3A_89 : f32 to vector<16xf32>
      %select_n3A = arith.select %lt3A_88, %broadcast_in_dim3A_90, %broadcast_in_dim3A_91 : vector<16xi1>, vector<16xf32>
      %mul3A_92 = arith.mulf %abs3A, %select_n3A : vector<16xf32>
      %add3A_93 = arith.addf %scan3A_72, %mul3A_92 : vector<16xf32>
      %mul3A_94 = arith.constant 8 : i32
      %mul3A_95 = arith.muli %scan3A_71, %mul3A_94 : i32
      %add3A_96 = arith.constant 1 : i32
      %add3A_97 = arith.addi %mul3A_95, %add3A_96 : i32
      %mul3A_98 = arith.constant 16 : i32
      %mul3A_99 = arith.muli %add3A_97, %mul3A_98 : i32
      %get3A_100 = arith.index_cast %mul3A_99 : i32 to index
      %get3A_101 = tpu.vector_load %arg6[%get3A_100] {strides = array<i32>} : memref<4096xf32, #tpu.memory_space<vmem>>, vector<16xf32>,
      %get3A_102 = vector.shape_cast %get3A_101 : vector<16xf32> to vector<16xf32>
      %get3A_103 = arith.index_cast %mul3A_99 : i32 to index
      %get3A_104 = tpu.vector_load %arg8[%get3A_103] {strides = array<i32>} : memref<4096xf32, #tpu.memory_space<vmem>>, vector<16xf32>,
      %get3A_105 = vector.shape_cast %get3A_104 : vector<16xf32> to vector<16xf32>
      %sub3A_106 = arith.subf %get3A_102, %get3A_105 : vector<16xf32>
      %abs3A_107 = math.absf %sub3A_106 : vector<16xf32>
      %lt3A_108 = arith.constant 0.00999999977 : f32
      %lt3A_109 = vector.broadcast %lt3A_108 : f32 to vector<16xf32>
      %lt3A_110 = arith.cmpf olt, %get3A_105, %lt3A_109 : vector<16xf32>
      %jit3A_111 = arith.constant 4.000000e+00 : f32
      %jit3A_112 = arith.constant 1.000000e+00 : f32
      %broadcast_in_dim3A_113 = vector.broadcast %jit3A_111 : f32 to vector<16xf32>
      %broadcast_in_dim3A_114 = vector.broadcast %jit3A_112 : f32 to vector<16xf32>
      %select_n3A_115 = arith.select %lt3A_110, %broadcast_in_dim3A_113, %broadcast_in_dim3A_114 : vector<16xi1>, vector<16xf32>
      %mul3A_116 = arith.mulf %abs3A_107, %select_n3A_115 : vector<16xf32>
      %add3A_117 = arith.addf %scan3A_73, %mul3A_116 : vector<16xf32>
      %mul3A_118 = arith.constant 8 : i32
      %mul3A_119 = arith.muli %scan3A_71, %mul3A_118 : i32
      %add3A_120 = arith.constant 2 : i32
      %add3A_121 = arith.addi %mul3A_119, %add3A_120 : i32
      %mul3A_122 = arith.constant 16 : i32
      %mul3A_123 = arith.muli %add3A_121, %mul3A_122 : i32
      %get3A_124 = arith.index_cast %mul3A_123 : i32 to index
      %get3A_125 = tpu.vector_load %arg6[%get3A_124] {strides = array<i32>} : memref<4096xf32, #tpu.memory_space<vmem>>, vector<16xf32>,
      %get3A_126 = vector.shape_cast %get3A_125 : vector<16xf32> to vector<16xf32>
      %get3A_127 = arith.index_cast %mul3A_123 : i32 to index
      %get3A_128 = tpu.vector_load %arg8[%get3A_127] {strides = array<i32>} : memref<4096xf32, #tpu.memory_space<vmem>>, vector<16xf32>,
      %get3A_129 = vector.shape_cast %get3A_128 : vector<16xf32> to vector<16xf32>
      %sub3A_130 = arith.subf %get3A_126, %get3A_129 : vector<16xf32>
      %abs3A_131 = math.absf %sub3A_130 : vector<16xf32>
      %lt3A_132 = arith.constant 0.00999999977 : f32
      %lt3A_133 = vector.broadcast %lt3A_132 : f32 to vector<16xf32>
      %lt3A_134 = arith.cmpf olt, %get3A_129, %lt3A_133 : vector<16xf32>
      %jit3A_135 = arith.constant 4.000000e+00 : f32
      %jit3A_136 = arith.constant 1.000000e+00 : f32
      %broadcast_in_dim3A_137 = vector.broadcast %jit3A_135 : f32 to vector<16xf32>
      %broadcast_in_dim3A_138 = vector.broadcast %jit3A_136 : f32 to vector<16xf32>
      %select_n3A_139 = arith.select %lt3A_134, %broadcast_in_dim3A_137, %broadcast_in_dim3A_138 : vector<16xi1>, vector<16xf32>
      %mul3A_140 = arith.mulf %abs3A_131, %select_n3A_139 : vector<16xf32>
      %add3A_141 = arith.addf %scan3A_74, %mul3A_140 : vector<16xf32>
      %mul3A_142 = arith.constant 8 : i32
      %mul3A_143 = arith.muli %scan3A_71, %mul3A_142 : i32
      %add3A_144 = arith.constant 3 : i32
      %add3A_145 = arith.addi %mul3A_143, %add3A_144 : i32
      %mul3A_146 = arith.constant 16 : i32
      %mul3A_147 = arith.muli %add3A_145, %mul3A_146 : i32
      %get3A_148 = arith.index_cast %mul3A_147 : i32 to index
      %get3A_149 = tpu.vector_load %arg6[%get3A_148] {strides = array<i32>} : memref<4096xf32, #tpu.memory_space<vmem>>, vector<16xf32>,
      %get3A_150 = vector.shape_cast %get3A_149 : vector<16xf32> to vector<16xf32>
      %get3A_151 = arith.index_cast %mul3A_147 : i32 to index
      %get3A_152 = tpu.vector_load %arg8[%get3A_151] {strides = array<i32>} : memref<4096xf32, #tpu.memory_space<vmem>>, vector<16xf32>,
      %get3A_153 = vector.shape_cast %get3A_152 : vector<16xf32> to vector<16xf32>
      %sub3A_154 = arith.subf %get3A_150, %get3A_153 : vector<16xf32>
      %abs3A_155 = math.absf %sub3A_154 : vector<16xf32>
      %lt3A_156 = arith.constant 0.00999999977 : f32
      %lt3A_157 = vector.broadcast %lt3A_156 : f32 to vector<16xf32>
      %lt3A_158 = arith.cmpf olt, %get3A_153, %lt3A_157 : vector<16xf32>
      %jit3A_159 = arith.constant 4.000000e+00 : f32
      %jit3A_160 = arith.constant 1.000000e+00 : f32
      %broadcast_in_dim3A_161 = vector.broadcast %jit3A_159 : f32 to vector<16xf32>
      %broadcast_in_dim3A_162 = vector.broadcast %jit3A_160 : f32 to vector<16xf32>
      %select_n3A_163 = arith.select %lt3A_158, %broadcast_in_dim3A_161, %broadcast_in_dim3A_162 : vector<16xi1>, vector<16xf32>
      %mul3A_164 = arith.mulf %abs3A_155, %select_n3A_163 : vector<16xf32>
      %add3A_165 = arith.addf %scan3A_75, %mul3A_164 : vector<16xf32>
      %mul3A_166 = arith.constant 8 : i32
      %mul3A_167 = arith.muli %scan3A_71, %mul3A_166 : i32
      %add3A_168 = arith.constant 4 : i32
      %add3A_169 = arith.addi %mul3A_167, %add3A_168 : i32
      %mul3A_170 = arith.constant 16 : i32
      %mul3A_171 = arith.muli %add3A_169, %mul3A_170 : i32
      %get3A_172 = arith.index_cast %mul3A_171 : i32 to index
      %get3A_173 = tpu.vector_load %arg6[%get3A_172] {strides = array<i32>} : memref<4096xf32, #tpu.memory_space<vmem>>, vector<16xf32>,
      %get3A_174 = vector.shape_cast %get3A_173 : vector<16xf32> to vector<16xf32>
      %get3A_175 = arith.index_cast %mul3A_171 : i32 to index
      %get3A_176 = tpu.vector_load %arg8[%get3A_175] {strides = array<i32>} : memref<4096xf32, #tpu.memory_space<vmem>>, vector<16xf32>,
      %get3A_177 = vector.shape_cast %get3A_176 : vector<16xf32> to vector<16xf32>
      %sub3A_178 = arith.subf %get3A_174, %get3A_177 : vector<16xf32>
      %abs3A_179 = math.absf %sub3A_178 : vector<16xf32>
      %lt3A_180 = arith.constant 0.00999999977 : f32
      %lt3A_181 = vector.broadcast %lt3A_180 : f32 to vector<16xf32>
      %lt3A_182 = arith.cmpf olt, %get3A_177, %lt3A_181 : vector<16xf32>
      %jit3A_183 = arith.constant 4.000000e+00 : f32
      %jit3A_184 = arith.constant 1.000000e+00 : f32
      %broadcast_in_dim3A_185 = vector.broadcast %jit3A_183 : f32 to vector<16xf32>
      %broadcast_in_dim3A_186 = vector.broadcast %jit3A_184 : f32 to vector<16xf32>
      %select_n3A_187 = arith.select %lt3A_182, %broadcast_in_dim3A_185, %broadcast_in_dim3A_186 : vector<16xi1>, vector<16xf32>
      %mul3A_188 = arith.mulf %abs3A_179, %select_n3A_187 : vector<16xf32>
      %add3A_189 = arith.addf %add3A_93, %mul3A_188 : vector<16xf32>
      %mul3A_190 = arith.constant 8 : i32
      %mul3A_191 = arith.muli %scan3A_71, %mul3A_190 : i32
      %add3A_192 = arith.constant 5 : i32
      %add3A_193 = arith.addi %mul3A_191, %add3A_192 : i32
      %mul3A_194 = arith.constant 16 : i32
      %mul3A_195 = arith.muli %add3A_193, %mul3A_194 : i32
      %get3A_196 = arith.index_cast %mul3A_195 : i32 to index
      %get3A_197 = tpu.vector_load %arg6[%get3A_196] {strides = array<i32>} : memref<4096xf32, #tpu.memory_space<vmem>>, vector<16xf32>,
      %get3A_198 = vector.shape_cast %get3A_197 : vector<16xf32> to vector<16xf32>
      %get3A_199 = arith.index_cast %mul3A_195 : i32 to index
      %get3A_200 = tpu.vector_load %arg8[%get3A_199] {strides = array<i32>} : memref<4096xf32, #tpu.memory_space<vmem>>, vector<16xf32>,
      %get3A_201 = vector.shape_cast %get3A_200 : vector<16xf32> to vector<16xf32>
      %sub3A_202 = arith.subf %get3A_198, %get3A_201 : vector<16xf32>
      %abs3A_203 = math.absf %sub3A_202 : vector<16xf32>
      %lt3A_204 = arith.constant 0.00999999977 : f32
      %lt3A_205 = vector.broadcast %lt3A_204 : f32 to vector<16xf32>
      %lt3A_206 = arith.cmpf olt, %get3A_201, %lt3A_205 : vector<16xf32>
      %jit3A_207 = arith.constant 4.000000e+00 : f32
      %jit3A_208 = arith.constant 1.000000e+00 : f32
      %broadcast_in_dim3A_209 = vector.broadcast %jit3A_207 : f32 to vector<16xf32>
      %broadcast_in_dim3A_210 = vector.broadcast %jit3A_208 : f32 to vector<16xf32>
      %select_n3A_211 = arith.select %lt3A_206, %broadcast_in_dim3A_209, %broadcast_in_dim3A_210 : vector<16xi1>, vector<16xf32>
      %mul3A_212 = arith.mulf %abs3A_203, %select_n3A_211 : vector<16xf32>
      %add3A_213 = arith.addf %add3A_117, %mul3A_212 : vector<16xf32>
      %mul3A_214 = arith.constant 8 : i32
      %mul3A_215 = arith.muli %scan3A_71, %mul3A_214 : i32
      %add3A_216 = arith.constant 6 : i32
      %add3A_217 = arith.addi %mul3A_215, %add3A_216 : i32
      %mul3A_218 = arith.constant 16 : i32
      %mul3A_219 = arith.muli %add3A_217, %mul3A_218 : i32
      %get3A_220 = arith.index_cast %mul3A_219 : i32 to index
      %get3A_221 = tpu.vector_load %arg6[%get3A_220] {strides = array<i32>} : memref<4096xf32, #tpu.memory_space<vmem>>, vector<16xf32>,
      %get3A_222 = vector.shape_cast %get3A_221 : vector<16xf32> to vector<16xf32>
      %get3A_223 = arith.index_cast %mul3A_219 : i32 to index
      %get3A_224 = tpu.vector_load %arg8[%get3A_223] {strides = array<i32>} : memref<4096xf32, #tpu.memory_space<vmem>>, vector<16xf32>,
      %get3A_225 = vector.shape_cast %get3A_224 : vector<16xf32> to vector<16xf32>
      %sub3A_226 = arith.subf %get3A_222, %get3A_225 : vector<16xf32>
      %abs3A_227 = math.absf %sub3A_226 : vector<16xf32>
      %lt3A_228 = arith.constant 0.00999999977 : f32
      %lt3A_229 = vector.broadcast %lt3A_228 : f32 to vector<16xf32>
      %lt3A_230 = arith.cmpf olt, %get3A_225, %lt3A_229 : vector<16xf32>
      %jit3A_231 = arith.constant 4.000000e+00 : f32
      %jit3A_232 = arith.constant 1.000000e+00 : f32
      %broadcast_in_dim3A_233 = vector.broadcast %jit3A_231 : f32 to vector<16xf32>
      %broadcast_in_dim3A_234 = vector.broadcast %jit3A_232 : f32 to vector<16xf32>
      %select_n3A_235 = arith.select %lt3A_230, %broadcast_in_dim3A_233, %broadcast_in_dim3A_234 : vector<16xi1>, vector<16xf32>
      %mul3A_236 = arith.mulf %abs3A_227, %select_n3A_235 : vector<16xf32>
      %add3A_237 = arith.addf %add3A_141, %mul3A_236 : vector<16xf32>
      %mul3A_238 = arith.constant 8 : i32
      %mul3A_239 = arith.muli %scan3A_71, %mul3A_238 : i32
      %add3A_240 = arith.constant 7 : i32
      %add3A_241 = arith.addi %mul3A_239, %add3A_240 : i32
      %mul3A_242 = arith.constant 16 : i32
      %mul3A_243 = arith.muli %add3A_241, %mul3A_242 : i32
      %get3A_244 = arith.index_cast %mul3A_243 : i32 to index
      %get3A_245 = tpu.vector_load %arg6[%get3A_244] {strides = array<i32>} : memref<4096xf32, #tpu.memory_space<vmem>>, vector<16xf32>,
      %get3A_246 = vector.shape_cast %get3A_245 : vector<16xf32> to vector<16xf32>
      %get3A_247 = arith.index_cast %mul3A_243 : i32 to index
      %get3A_248 = tpu.vector_load %arg8[%get3A_247] {strides = array<i32>} : memref<4096xf32, #tpu.memory_space<vmem>>, vector<16xf32>,
      %get3A_249 = vector.shape_cast %get3A_248 : vector<16xf32> to vector<16xf32>
      %sub3A_250 = arith.subf %get3A_246, %get3A_249 : vector<16xf32>
      %abs3A_251 = math.absf %sub3A_250 : vector<16xf32>
      %lt3A_252 = arith.constant 0.00999999977 : f32
      %lt3A_253 = vector.broadcast %lt3A_252 : f32 to vector<16xf32>
      %lt3A_254 = arith.cmpf olt, %get3A_249, %lt3A_253 : vector<16xf32>
      %jit3A_255 = arith.constant 4.000000e+00 : f32
      %jit3A_256 = arith.constant 1.000000e+00 : f32
      %broadcast_in_dim3A_257 = vector.broadcast %jit3A_255 : f32 to vector<16xf32>
      %broadcast_in_dim3A_258 = vector.broadcast %jit3A_256 : f32 to vector<16xf32>
      %select_n3A_259 = arith.select %lt3A_254, %broadcast_in_dim3A_257, %broadcast_in_dim3A_258 : vector<16xi1>, vector<16xf32>
      %mul3A_260 = arith.mulf %abs3A_251, %select_n3A_259 : vector<16xf32>
      %add3A_261 = arith.addf %add3A_165, %mul3A_260 : vector<16xf32>
      scf.yield %add3A_189, %add3A_213, %add3A_237, %add3A_261 : vector<16xf32>, vector<16xf32>, vector<16xf32>, vector<16xf32>
    }
    %scan3A_64 = arith.constant 32 : i32
    %add3A_65 = arith.addf %scan3A_63#0, %scan3A_63#1 : vector<16xf32>
    %add3A_66 = arith.addf %scan3A_63#2, %scan3A_63#3 : vector<16xf32>
    %add3A_67 = arith.addf %add3A_65, %add3A_66 : vector<16xf32>
    %swap3A = arith.constant 0 : index
    %swap3A_68 = tpu.vector_load %arg9[%swap3A] {strides = array<i32>} : memref<16xf32, #tpu.memory_space<vmem>>, vector<16xf32>,
    %swap3A_69 = vector.shape_cast %swap3A_68 : vector<16xf32> to vector<16xf32>
    %swap3A_70 = vector.shape_cast %add3A_67 : vector<16xf32> to vector<16xf32>
    tpu.vector_store %arg9[%swap3A], %swap3A_70 {strides = array<i32>} : memref<16xf32, #tpu.memory_space<vmem>>, vector<16xf32>,
    "tpu.region"() ({
      %run_scoped3A = tpu.sem_alloc : memref<!tpu.dma_semaphore, #tpu.memory_space<semaphore_mem>>
      %dma_start3A_71 = arith.constant 0 : i32
      %dma_start3A_72 = tpu.memref_slice %arg4[%add3A, %dma_start3A_71] : memref<32x16xf32, #tpu.memory_space<hbm>> -> memref<1x16xf32, #tpu.memory_space<hbm>>
      %dma_start3A_73 = tpu.memref_squeeze %dma_start3A_72 : memref<1x16xf32, #tpu.memory_space<hbm>> -> memref<16xf32, #tpu.memory_space<hbm>>
      %dma_start3A_74 = arith.constant 0 : i32
      %dma_start3A_75 = tpu.memref_slice %arg4[%add3A, %dma_start3A_74] : memref<32x16xf32, #tpu.memory_space<hbm>> -> memref<1x16xf32, #tpu.memory_space<hbm>>
      %dma_start3A_76 = tpu.memref_squeeze %dma_start3A_75 : memref<1x16xf32, #tpu.memory_space<hbm>> -> memref<16xf32, #tpu.memory_space<hbm>>
      tpu.enqueue_dma source(%arg9 : memref<16xf32, #tpu.memory_space<vmem>>) target(%dma_start3A_76 : memref<16xf32, #tpu.memory_space<hbm>>) target_semaphore(%run_scoped3A : memref<!tpu.dma_semaphore, #tpu.memory_space<semaphore_mem>>)
      %dma_wait3A_77 = arith.constant 0 : i32
      %dma_wait3A_78 = tpu.memref_slice %arg4[%add3A, %dma_wait3A_77] : memref<32x16xf32, #tpu.memory_space<hbm>> -> memref<1x16xf32, #tpu.memory_space<hbm>>
      %dma_wait3A_79 = tpu.memref_squeeze %dma_wait3A_78 : memref<1x16xf32, #tpu.memory_space<hbm>> -> memref<16xf32, #tpu.memory_space<hbm>>
      %dma_wait3A_80 = arith.constant 0 : i32
      %dma_wait3A_81 = tpu.memref_slice %arg4[%add3A, %dma_wait3A_80] : memref<32x16xf32, #tpu.memory_space<hbm>> -> memref<1x16xf32, #tpu.memory_space<hbm>>
      %dma_wait3A_82 = tpu.memref_squeeze %dma_wait3A_81 : memref<1x16xf32, #tpu.memory_space<hbm>> -> memref<16xf32, #tpu.memory_space<hbm>>
      tpu.wait_dma2 semaphore(%run_scoped3A : memref<!tpu.dma_semaphore, #tpu.memory_space<semaphore_mem>>) src(%arg9 : memref<16xf32, #tpu.memory_space<vmem>>) dst(%dma_wait3A_82 : memref<16xf32, #tpu.memory_space<hbm>>)
      tpu.yield
    }) : () -> ()
    return
  }
}

module attributes {stable_mosaic.version = 14 : i64} {
  func.func @_tc_body(%arg0: i32, %arg1: memref<256x512xf32, #tpu.memory_space<vmem>>, %arg2: memref<256x512xf32, #tpu.memory_space<vmem>>, %arg3: memref<1x512xf32, #tpu.memory_space<vmem>>) attributes {dimension_semantics = [#tpu.dimension_semantics<arbitrary>], iteration_bounds = array<i64: 4>, scalar_prefetch = 0 : i64, scratch_operands = 0 : i64, tpu.core_type = #tpu.core_type<tc>, window_params = [{transform_indices = @transform_0, window_bounds = array<i64: 256, 512>}, {transform_indices = @transform_1, window_bounds = array<i64: 256, 512>}, {pipeline_mode = #tpu.pipeline_mode<synchronous>, transform_indices = @transform_2, window_bounds = array<i64: 1, 512>}]} {
    %eq3A = arith.constant 0 : i32
    %eq3A_0 = arith.cmpi eq, %arg0, %eq3A : i32
    %convert_element_type3A = arith.extui %eq3A_0 : i1 to i32
    %cond3A = arith.constant 0 : i32
    %cond3A_1 = arith.cmpi ne, %convert_element_type3A, %cond3A : i32
    scf.if %cond3A_1 {
      %broadcast_in_dim3A_21 = arith.constant 0.000000e+00 : f32
      %broadcast_in_dim3A_22 = vector.broadcast %broadcast_in_dim3A_21 : f32 to vector<1x512xf32>
      %swap3A_23 = arith.constant 0 : index
      %swap3A_24 = arith.constant 0 : index
      %swap3A_25 = vector.load %arg3[%swap3A_23, %swap3A_24] : memref<1x512xf32, #tpu.memory_space<vmem>>, vector<1x512xf32>
      tpu.vector_store %arg3[%swap3A_23, %swap3A_24], %broadcast_in_dim3A_22 {strides = array<i32>} : memref<1x512xf32, #tpu.memory_space<vmem>>, vector<1x512xf32>,
    } else {
    }
    %get3A = arith.constant 0 : index
    %get3A_2 = arith.constant 0 : index
    %get3A_3 = vector.load %arg1[%get3A, %get3A_2] : memref<256x512xf32, #tpu.memory_space<vmem>>, vector<256x512xf32>
    %get3A_4 = arith.constant 0 : index
    %get3A_5 = arith.constant 0 : index
    %get3A_6 = vector.load %arg2[%get3A_4, %get3A_5] : memref<256x512xf32, #tpu.memory_space<vmem>>, vector<256x512xf32>
    %sub3A = arith.subf %get3A_3, %get3A_6 : vector<256x512xf32>
    %abs3A = math.absf %sub3A : vector<256x512xf32>
    %get3A_7 = arith.constant 0 : index
    %get3A_8 = arith.constant 0 : index
    %get3A_9 = vector.load %arg2[%get3A_7, %get3A_8] : memref<256x512xf32, #tpu.memory_space<vmem>>, vector<256x512xf32>
    %lt3A = arith.constant 0.00999999977 : f32
    %lt3A_10 = vector.broadcast %lt3A : f32 to vector<256x512xf32>
    %lt3A_11 = arith.cmpf olt, %get3A_9, %lt3A_10 : vector<256x512xf32>
    %jit3A = arith.constant 4.000000e+00 : f32
    %jit3A_12 = arith.constant 1.000000e+00 : f32
    %broadcast_in_dim3A = vector.broadcast %jit3A : f32 to vector<256x512xf32>
    %broadcast_in_dim3A_13 = vector.broadcast %jit3A_12 : f32 to vector<256x512xf32>
    %select_n3A = arith.select %lt3A_11, %broadcast_in_dim3A, %broadcast_in_dim3A_13 : vector<256x512xi1>, vector<256x512xf32>
    %get3A_14 = arith.constant 0 : index
    %get3A_15 = arith.constant 0 : index
    %get3A_16 = vector.load %arg3[%get3A_14, %get3A_15] : memref<1x512xf32, #tpu.memory_space<vmem>>, vector<1x512xf32>
    %mul3A = arith.mulf %abs3A, %select_n3A : vector<256x512xf32>
    %reduce_sum3A = arith.constant dense<0.000000e+00> : vector<512xf32>
    %reduce_sum3A_17 = vector.multi_reduction <add>, %mul3A, %reduce_sum3A [0] : vector<256x512xf32> to vector<512xf32>
    %broadcast_in_dim3A_18 = vector.shape_cast %reduce_sum3A_17 : vector<512xf32> to vector<1x512xf32>
    %add3A = arith.addf %get3A_16, %broadcast_in_dim3A_18 : vector<1x512xf32>
    %swap3A = arith.constant 0 : index
    %swap3A_19 = arith.constant 0 : index
    %swap3A_20 = vector.load %arg3[%swap3A, %swap3A_19] : memref<1x512xf32, #tpu.memory_space<vmem>>, vector<1x512xf32>
    tpu.vector_store %arg3[%swap3A, %swap3A_19], %add3A {strides = array<i32>} : memref<1x512xf32, #tpu.memory_space<vmem>>, vector<1x512xf32>,
    return
  }
  func.func @transform_0(%arg0: i32) -> (i32, i32) {
    %c0_i32 = arith.constant 0 : i32
    %c0_i32_0 = arith.constant 0 : i32
    return %arg0, %c0_i32 : i32, i32
  }
  func.func @transform_1(%arg0: i32) -> (i32, i32) {
    %c0_i32 = arith.constant 0 : i32
    %c0_i32_0 = arith.constant 0 : i32
    return %arg0, %c0_i32 : i32, i32
  }
  func.func @transform_2(%arg0: i32) -> (i32, i32) {
    %c0_i32 = arith.constant 0 : i32
    %c0_i32_0 = arith.constant 0 : i32
    %c0_i32_1 = arith.constant 0 : i32
    return %c0_i32, %c0_i32_0 : i32, i32
  }
}

</mosaic_0001>

<sc_bundles>
// kernel: kernel.4.cloned.1.call-start
scs
__scs_entry_jumppad:
0x0: {  	(pc) =	sbr.rel $0x88, $3  }
0x1: {  	(tag) =	ssettag $0x0;
	lr =	simm.s32 $0x1  }
0x2: {  	[smem:$0x3F9F] =	sst lr;
	_ =	strace $0xD0000000  }
0x3: {  	_ = 	snop  }
0x4: {  	_ = 	snop  }
0x5: {  	_ = 	snop  }
0x6: {  	_ = 	snop  }
0x7: {  	_ = 	snop  }
__scs_overlays_trampoline_lowered:
0x8: {  	[smem:$0x3FAE] =	sst s0  }
0x9: {  	[smem:$0x3FAF] =	sst s1  }
0xa: {  	[smem:$0x3FB0] =	sst s2  }
0xb: {  	[smem:$0x3FB1] =	sst s3  }
0xc: {  	[smem:$0x3FB2] =	sst s4  }
0xd: {  	[smem:$0x3FB3] =	sst s5  }
0xe: {  	[smem:$0x3FB4] =	sst s6  }
0xf: {  	[smem:$0x3FB5] =	sst s7  }
0x10: {  	[smem:$0x3FB6] =	sst s8  }
0x11: {  	[smem:$0x3FB7] =	sst s9;
	s0 =	simm.s32 @!p0 $0x0  }
0x12: {  	s1 =	sld [smem:$0x3F9D];
	s0 =	simm.s32 @p0 $0x1  }
0x13: {  	[smem:$0x3FB8] =	sst s0;
	s0 =	simm.s32 @!p1 $0x0  }
0x14: {  	s2 =	sld [smem:$0x3F9C];
	s0 =	simm.s32 @p1 $0x1  }
0x15: {  	[smem:$0x3FB9] =	sst s0;
	s0 =	simm.s32 @!p2 $0x0  }
0x16: {  	s3 =	sld [smem:$0x3FDB];
	s0 =	simm.s32 @p2 $0x1  }
0x17: {  	s4 =	simm.s32 $0x1BF5;
	[smem:$0x3FBB] =	sst s0  }
0x18: {  	s0 =	sld [smem:$0x3F9E];
	_ =	swait.ge [sflag:s4], $0x0  }
0x19: {  	s7 =	sld [smem:$0x3F9F]  }
0x1a: {  	s8 =	sadd.s32 $0xFFFFE003, lr  }
0x1b: {  	s9 =	sadd.s32 $0xFFFFFEF7, lr;
	s5 =	simm.s32 $0xFFFFFFFF;
	p2 =	slt.u32 s8, $0xFFFFF086  }
0x1c: {  	p1 =	slt.u32 s9, $0xF7A;
	s5 =	simm.s32 @!p2 $0x0  }
0x1d: {  	s5 =	simm.s32 @p1 $0x1;
	p0 =	seq.s32 s7, s2  }
0x1e: {  	s7 =	smul.u32 @!p0 $0xF7A, s2;
	p2 =	seq.s32 @!p0 s5, $0x0  }
0x1f: {  	s9 =	smul.u32 $0xF7A, s1;
	s8 =	simm.s32 @!p0 $0x1BF5;
	p2 =	por !p2, p0  }
0x20: {  	[sflag:s8] =	ssyncset.s32 @!p0 $0xFFFFF086;
	s6 =	sadd.s32 @!p0 s3, s7;
	s7 =	simm.s32 @!p0 $0x108  }
0x21: {  	s3 =	sadd.s32 s3, s9;
	s6 =	sadd.s32 @!p0 $0x88, s6;
	s7 =	simm.s32 @p2 $0x1082  }
0x22: {  	[simem:s7], [sflag:s8] =	dma.local @!p0 [hbm:s6], $0xF7A  }
0x23: {  	s9 =	sor.u32 $0xD0000000, s2;
	s6 =	simm.s32 $0x108;
	_ =	swait.ge @!p0 [sflag:s8], $0x0  }
0x24: {  	s3 =	sadd.s32 $0x88, s3;
	s6 =	simm.s32 @!p1 $0x1082;
	[sflag:s4] =	ssyncset.s32 $0xFFFFF086  }
0x25: {  	[simem:s6], [sflag:s4] =	dma.local [hbm:s3], $0xF7A  }
0x26: {  	[smem:$0x3F9F] =	sst s1;
	(tag) =	ssettag s2;
	_ =	strace s9  }
0x27: {  	s1 =	sld [smem:$0x3FAF]  }
0x28: {  	s2 =	sld [smem:$0x3FB0]  }
0x29: {  	s4 =	sld [smem:$0x3FB2]  }
0x2a: {  	p0 =	seq.s32 s5, $0x0;
	s5 =	sld [smem:$0x3FB3]  }
0x2b: {  	s6 =	sld [smem:$0x3FB4]  }
0x2c: {  	s7 =	sld [smem:$0x3FB5]  }
0x2d: {  	s3 =	simm.s32 $0x108;
	s8 =	sld [smem:$0x3FB6]  }
0x2e: {  	s3 =	simm.s32 @!p0 $0x1082;
	s9 =	sld [smem:$0x3FB7]  }
0x2f: {  	lr =	sadd.s32 s0, s3;
	s0 =	sld [smem:$0x3FAE]  }
0x30: {  	s3 =	sld [smem:$0x3FB1]  }
0x31: {  	[smem:$0x3FBA] =	sst s10  }
0x32: {  	s10 =	sld [smem:$0x3FB8];
	_ =	sdelay $0x3  }
0x33: {  	p0 =	seq.s32 s10, $0x1;
	s10 =	sld [smem:$0x3FBA];
	_ =	sdelay $0x3  }
0x34: {  	[smem:$0x3FBA] =	sst s10  }
0x35: {  	s10 =	sld [smem:$0x3FB9];
	_ =	sdelay $0x3  }
0x36: {  	p1 =	seq.s32 s10, $0x1;
	s10 =	sld [smem:$0x3FBA];
	_ =	sdelay $0x3  }
0x37: {  	[smem:$0x3FBA] =	sst s10  }
0x38: {  	s10 =	sld [smem:$0x3FBB]  }
0x39: {  	_ = 	snop;
	(pc) =	sbr.ind lr, $3  }
0x3a: {  	_ = 	snop  }
0x3b: {  	_ = 	snop  }
0x3c: {  	p2 =	seq.s32 s10, $0x1;
	s10 =	sld [smem:$0x3FBA]  }
0x3d: {  	_ =	shalt  }
0x3e: {  	_ =	shalt  }
0x3f: {  	_ =	shalt  }
0x40: {  	_ =	shalt  }
0x41: {  	_ =	shalt  }
0x42: {  	_ =	shalt  }
0x43: {  	_ =	shalt  }
0x44: {  	_ =	shalt  }
0x45: {  	_ =	shalt  }
0x46: {  	_ =	shalt  }
0x47: {  	_ =	shalt  }
0x48: {  	_ =	shalt  }
0x49: {  	_ =	shalt  }
0x4a: {  	_ =	shalt  }
0x4b: {  	_ =	shalt  }
0x4c: {  	_ =	shalt  }
0x4d: {  	_ =	shalt  }
0x4e: {  	_ =	shalt  }
0x4f: {  	_ =	shalt  }
0x50: {  	_ =	shalt  }
0x51: {  	_ =	shalt  }
0x52: {  	_ =	shalt  }
0x53: {  	_ =	shalt  }
0x54: {  	_ =	shalt  }
0x55: {  	_ =	shalt  }
0x56: {  	_ =	shalt  }
0x57: {  	_ =	shalt  }
0x58: {  	_ =	shalt  }
0x59: {  	_ =	shalt  }
0x5a: {  	_ =	shalt  }
0x5b: {  	_ =	shalt  }
0x5c: {  	_ =	shalt  }
0x5d: {  	_ =	shalt  }
0x5e: {  	_ =	shalt  }
0x5f: {  	_ =	shalt  }
0x60: {  	_ =	shalt  }
0x61: {  	_ =	shalt  }
0x62: {  	_ =	shalt  }
0x63: {  	_ =	shalt  }
0x64: {  	_ =	shalt  }
0x65: {  	_ =	shalt  }
0x66: {  	_ =	shalt  }
0x67: {  	_ =	shalt  }
0x68: {  	_ =	shalt  }
0x69: {  	_ =	shalt  }
0x6a: {  	_ =	shalt  }
0x6b: {  	_ =	shalt  }
0x6c: {  	_ =	shalt  }
0x6d: {  	_ =	shalt  }
0x6e: {  	_ =	shalt  }
0x6f: {  	_ =	shalt  }
0x70: {  	_ =	shalt  }
0x71: {  	_ =	shalt  }
0x72: {  	_ =	shalt  }
0x73: {  	_ =	shalt  }
0x74: {  	_ =	shalt  }
0x75: {  	_ =	shalt  }
0x76: {  	_ =	shalt  }
0x77: {  	_ =	shalt  }
0x78: {  	_ =	shalt  }
0x79: {  	_ =	shalt  }
0x7a: {  	_ =	shalt  }
0x7b: {  	_ =	shalt  }
0x7c: {  	_ =	shalt  }
0x7d: {  	_ =	shalt  }
0x7e: {  	_ =	shalt  }
0x7f: {  	_ =	shalt  }
0x80: {  	_ =	shalt  }
0x81: {  	_ =	shalt  }
0x82: {  	_ =	shalt  }
0x83: {  	_ =	shalt  }
0x84: {  	_ =	shalt  }
0x85: {  	_ =	shalt  }
0x86: {  	_ =	shalt  }
0x87: {  	_ =	shalt  }
.Lfunc_end0:
.L_simem_size_0:
called_computation_lowered:
.L_overlay_start_0:
0x88: {  	s2 =	sld [smem:$0x3FD9]  }
0x89: {  	s3 =	sld [smem:$0x3FFE];
	_ =	sdelay $0x1  }
0x8a: {  	s1 =	srdreg.scid  }
0x8b: {  	s0 =	sand.u32 $0x1, s1  }
0x8c: {  	s16 =	sshll.u32 s0, $0xA;
	s2 =	sadd.s32 s3, s2  }
0x8d: {  	s2 =	sadd.s32 s2, s16  }
0x8e: {  	[smem:$0x3FC6] =	sst s2  }
0x8f: {  	_ = 	snop  }
0x90: {  	(tm) =	ssettm $0x1  }
0x91: {  	s17 =	sld [smem:$0x3FFB];
	_ =	sdelay $0x3  }
0x92: {  	_ =	strace s17  }
0x93: {  	s2 =	sld [smem:$0x3FFC];
	_ =	sdelay $0x3  }
0x94: {  	_ =	strace s2  }
0x95: {  	s2 =	sld [smem:$0x3FFD];
	_ =	sdelay $0x3  }
0x96: {  	_ =	strace s2  }
0x97: {  	_ =	strace $0x8FFFFFFF  }
0x98: {  	s18 =	sld [smem:$0x3FDB];
	_ =	sdelay $0x1  }
0x99: {  	s19 =	simm.s32 $_scs_section_size  }
0x9a: {  	s4 =	simm.s32 $_size__tile_overlayer_lowered;
	s5 =	simm.s32 $_tile_overlayer_lowered  }
0x9b: {  	s22 =	simm.s32 $0x1BFF;
	s21 =	sshll.u32 s5, $0x1;
	s2 =	sadd.s32 s19, s18  }
0x9c: {  	s6 =	simm.s32 $0x0;
	s20 =	sshll.u32 s4, $0x1;
	s4 =	sadd.s32 s21, s2  }
0x9d: {  	[timem:s6], [sflag:s22] =	dma.local [hbm:s4], s20  }
0x9e: {  	_ =	swait.ge [sflag:s22], s20  }
0x9f: {  	s3 =	ssub.s32 $0x0, s20;
	[sflag:s22] =	ssyncset.done $0x0  }
0xa0: {  	[sflag:s22] =	ssyncadd.s32 s3;
	_ =	sdelay $0x1  }
0xa1: {  	s23 =	simm.s32 $0x1B8B  }
0xa2: {  	_ =	swait.ge [sflag:s23], $0x1  }
0xa3: {  	[sflag:s23] =	ssyncset.done $0x0  }
0xa4: {  	s25 =	simm.s32 $0x1B8E;
	s24 =	sld [smem:$0x3FFE];
	[sflag:s23] =	ssyncadd.s32 $0xFFFFFFFF  }
0xa5: {  	s26 =	simm.s32 $execute0_lowered;
	[smem:$0x3FD2] =	sst s25  }
0xa6: {  	s4 =	sshll.u32 s26, $0x1;
	_ =	strace $0x80000046;
	[dreg:$0x1] =	wrdreg $0xFFFFFFFF  }
0xa7: {  	s28 =	simm.s32 $_size_execute0_lowered;
	s2 =	sadd.s32 s2, s4;
	[dreg:$0x0] =	wrdreg $0x0  }
0xa8: {  	s4 =	sshll.u32 s28, $0x1;
	[dreg:$0x2] =	wrdreg s2  }
0xa9: {  	[dreg:$0x3] =	wrdreg s4  }
0xaa: {  	[dreg:$0x4] =	wrdreg $0xC0  }
0xab: {  	_ =	task [dreg:s6], $0x5FFFF  }
0xac: {  	[dreg:$0x1] =	wrdreg $0xFFFFFFFF  }
0xad: {  	[dreg:$0x0] =	wrdreg $0x60  }
0xae: {  	[dreg:$0x2] =	wrdreg s24  }
0xaf: {  	[dreg:$0x3] =	wrdreg $0x9  }
0xb0: {  	_ =	task.clear_ibuf [dreg:s6], $0x4FFFF;
	_ =	strace $0x90000046  }
0xb1: {  	s29 =	simm.s32 $0x9;
	_ =	strace $0x80000048  }
0xb2: {  	_ =	swait.ge [sflag:s29], $0x1  }
0xb3: {  	[sflag:s29] =	ssyncadd.s32 $0xFFFFFFFF  }
0xb4: {  	_ =	strace $0x90000048  }
0xb5: {  	_ =	sfence  }
0xb6: {  	s30 =	sld [smem:$0x0];
	_ =	sdelay $0x2  }
0xb7: {  	s31 =	sshll.u32 s1, $0xD;
	s1 =	sshrl.u32 s1, $0x2  }
0xb8: {  	s3 =	sand.u32 $0x4000, s31;
	s1 =	sadd.s32 s1, s30  }
0xb9: {  	s0 =	sor.u32 s3, s0;
	s1 =	sshll.u32 s1, $0x11  }
0xba: {  	s0 =	sor.u32 s1, s0  }
0xbb: {  	s0 =	sadd.s32 $0x8F2B, s0  }
0xbc: {  	[sflag:s0] =	ssyncadd.remote.s32 $0x1  }
0xbd: {  	_ =	sfence.sel $0xFFFF  }
0xbe: {  	[dreg:$0x0] =	wrdreg $0xFFFFFFFF;
	(pc) =	sbr.abs _section_cstart, $3  }
0xbf: {  	[dreg:$0x1] =	wrdreg $0xFFFFFFFF  }
0xc0: {  	_ =	task.clear_ibuf [dreg:s6], $0x2FFFF;
	_ =	strace $0x9FFFFFFF  }
0xc1: {  	(tm) =	ssettm $0x7FFFFFFF  }
tec
execute0_lowered:
.L_overlay_start_1:
0x0: {  	(tag) =	ssettag $0x1  }
0x1: {  	s9 =	rddreg [dreg:$0x0]  }
0x2: {  	s0 =	rddreg [dreg:$0x1];
	s2 =	simm.s32 $0x0;
	s3 =	srdreg.scid  }
0x3: {  	s1 =	stileid.u32;
	s15 =	simm.s32 $0x3000;
	s16 =	simm.s32 $0x1  }
0x4: {  	s17 =	simm.s32 $0x3;
	s18 =	simm.s32 $0x2;
	s19 =	simm.s32 $0x4  }
0x5: {  	s20 =	simm.s32 $0x4000;
	s21 =	simm.s32 $0x5;
	s22 =	simm.s32 $0x0  }
0x6: {  	[smem:$0x7FF] =	sst s2;
	s3 =	sand.u32 $0x1, s3;
	s4 =	sshll.u32 s1, $0x1  }
0x7: {  	s10 =	sadd.s32 $0x10000, s9;
	s4 =	sor.u32 s3, s4;
	s3 =	ssub.s32 $0x2, s3  }
0x8: {  	_ =	strace $0x80000047;
	s5 =	sshll.u32 s4, $0x4;
	s31 =	sshrl.u32 s3, $0x1  }
0x9: {  	s8 =	sshll.u32 s4, $0xB;
	s11 =	sadd.s32 s5, s9;
	s12 =	ssub.s32 s3, s31  }
0xa: {  	s3 =	sadd.s32 s9, s8;
	s6 =	sor.u32 $0x200, s8;
	s4 =	sadd.s32 s10, s8  }
0xb: {  	s13 =	sor.u32 $0x400, s8;
	s14 =	sor.u32 $0x600, s8;
	s5 =	sadd.s32 s9, s6  }
0xc: {  	s6 =	sadd.s32 s10, s6;
	s7 =	sadd.s32 s9, s13;
	s8 =	sadd.s32 s10, s13  }
0xd: {  	s9 =	sadd.s32 s9, s14;
	s10 =	sadd.s32 s10, s14;
	s11 =	sadd.s32 $0x20000, s11  }
0xe: {  	v0 =	vimm.f32 $1.000000000e+00;
	s12 =	smax.u32 s12, $0x1;
	s13 =	simm.s32 $0x2000;
	s14 =	simm.s32 $0x1000  }
.LBB2_1:
0xf: {  	[tilespmem:s2], [sflag:$0x1] =	stream.linear.gather [hbm4b:s3+s2], $0x1000, $0x38;
	[tilespmem:$0x4080] =	vst v63  }
0x10: {  	_ = 	snop  }
0x11: {  	[tilespmem:s13], [sflag:$0x3] =	stream.linear.gather [hbm4b:s4+s2], $0x1000, $0x38;
	[tilespmem:$0x4080] =	vst v63  }
0x12: {  	_ = 	snop  }
0x13: {  	[tilespmem:s14], [sflag:$0x2] =	stream.linear.gather [hbm4b:s5+s2], $0x1000, $0x38;
	[tilespmem:$0x4080] =	vst v63  }
0x14: {  	_ = 	snop  }
0x15: {  	[tilespmem:s15], [sflag:$0x4] =	stream.linear.gather [hbm4b:s6+s2], $0x1000, $0x38;
	[tilespmem:$0x4080] =	vst v63  }
0x16: {  	_ =	swait.ge [sflag:s16], $0x1000  }
0x17: {  	[sflag:s16] =	ssyncset.done $0x0  }
0x18: {  	[sflag:s16] =	ssyncadd.s32 $0xFFFFF000  }
0x19: {  	_ =	swait.ge [sflag:s17], $0x1000  }
0x1a: {  	[sflag:s17] =	ssyncset.done $0x0  }
0x1b: {  	s23 =	simm.s32 $0x0;
	[sflag:s17] =	ssyncadd.s32 $0xFFFFF000  }
0x1c: {  	v8 =	vld [tilespmem:s23+$0x2040]  }
0x1d: {  	v9 =	vld [tilespmem:s23+$0x2050]  }
0x1e: {  	v2 =	vld [tilespmem:s23+$0x50]  }
0x1f: {  	v4 =	vld [tilespmem:s23+$0x2070]  }
0x20: {  	v5 =	vld [tilespmem:s23+$0x70]  }
0x21: {  	v6 =	vld [tilespmem:s23+$0x2030]  }
0x22: {  	v11 =	vld [tilespmem:s23+$0x30]  }
0x23: {  	v10 =	vld [tilespmem:s23+$0x2020]  }
0x24: {  	v3 =	vld [tilespmem:s23+$0x2010]  }
0x25: {  	v1 =	vld [tilespmem:s23+$0x2060]  }
0x26: {  	v7 =	vimm.f32 $0.0e+00;
	v13 =	vld [tilespmem:s23+$0x10];
	vm1 =	vlt.f32 v8, $9.999999770e-03  }
0x27: {  	v12 =	vld [tilespmem:s23+$0x20];
	vm3 =	vlt.f32 v4, $9.999999770e-03;
	vm0 =	vlt.f32 v6, $9.999999770e-03;
	v6 =	vsub.f32 v11, v6  }
0x28: {  	v15 =	vld [tilespmem:s23+$0x40];
	v17 =	vsub.f32 v5, v4;
	vm2 =	vlt.f32 v10, $9.999999770e-03;
	v4 =	vimm.f32 $0.0e+00  }
0x29: {  	v11 =	vld [tilespmem:s23+$0x2000];
	v5 =	vimm.f32 $0.0e+00;
	v14 =	vsel vm0, $0x40800000, v0;
	vm0 =	vlt.f32 v3, $9.999999770e-03  }
0x2a: {  	s25 =	simm.s32 $0x200;
	v16 =	vld [tilespmem:s23+$0x60];
	v19 =	vsel vm3, $0x40800000, v0;
	v18 =	vand.u32 $0x7FFFFFFF, v6;
	v6 =	vimm.f32 $0.0e+00  }
.LBB2_2:
0x2b: {  	s24 =	smov.u32 s25  }
0x2c: {  	v20 =	vld [tilespmem:s23+$0x0];
	s23 =	sshra.s32 s25, $0x2;
	v21 =	vsel vm1, $0x40800000, v0;
	vm1 =	vlt.f32 v1, $9.999999770e-03;
	v17 =	vand.u32 $0x7FFFFFFF, v17;
	s24 =	sadd.s32 $0x200, s25  }
0x2d: {  	p0 =	sne.s32 s25, $0x3E00;
	v3 =	vsub.f32 v13, v3;
	v23 =	vsel vm1, $0x40800000, v0;
	v13 =	vmul.f32 v19, v17;
	v22 =	vld [tilespmem:s23+$0x2040]  }
0x2e: {  	v10 =	vsub.f32 v12, v10;
	v12 =	vsub.f32 v2, v9;
	vm1 =	vlt.f32 v11, $9.999999770e-03;
	v17 =	vld [tilespmem:s23+$0x2050]  }
0x2f: {  	v14 =	vmul.f32 v14, v18;
	vm3 =	vlt.f32 v9, $9.999999770e-03;
	v15 =	vsub.f32 v15, v8;
	v2 =	vld [tilespmem:s23+$0x50]  }
0x30: {  	v18 =	vsel vm2, $0x40800000, v0;
	v24 =	vand.u32 $0x7FFFFFFF, v12;
	v25 =	vsub.f32 v16, v1;
	v1 =	vld [tilespmem:s23+$0x2060]  }
0x31: {  	v7 =	vadd.f32 v14, v7;
	v14 =	vsel vm3, $0x40800000, v0;
	v11 =	vsub.f32 v20, v11;
	v12 =	vld [tilespmem:s23+$0x2070]  }
0x32: {  	v19 =	vsel vm1, $0x40800000, v0;
	v20 =	vmul.f32 v14, v24;
	v14 =	vand.u32 $0x7FFFFFFF, v25;
	v16 =	vld [tilespmem:s23+$0x70];
	v8 =	vmovc v22  }
0x33: {  	v7 =	vadd.f32 v13, v7;
	v24 =	vand.u32 $0x7FFFFFFF, v10;
	v10 =	vand.u32 $0x7FFFFFFF, v15;
	v22 =	vld [tilespmem:s23+$0x2030];
	v9 =	vmovc v17  }
0x34: {  	v21 =	vmul.f32 v21, v10;
	v11 =	vand.u32 $0x7FFFFFFF, v11;
	vm1 =	vlt.f32 v8, $9.999999770e-03;
	v15 =	vld [tilespmem:s23+$0x30]  }
0x35: {  	v13 =	vand.u32 $0x7FFFFFFF, v3;
	v18 =	vmul.f32 v18, v24;
	v17 =	vsel vm0, $0x40800000, v0;
	v10 =	vld [tilespmem:s23+$0x2020]  }
0x36: {  	v11 =	vmul.f32 v19, v11;
	v19 =	vmul.f32 v17, v13;
	v3 =	vld [tilespmem:s23+$0x2010];
	vm3 =	vlt.f32 v12, $9.999999770e-03  }
.Ltmp0:
0x37: {  	v6 =	vadd.f32 v18, v6;
	v13 =	vld [tilespmem:s23+$0x10];
	v17 =	vsub.f32 v16, v12;
	v16 =	vmul.f32 v23, v14;
	(pc) =	sbr.rel @p0 .LBB2_2-.Ltmp0, $4  }
0x38: {  	v4 =	vadd.f32 v11, v4;
	v5 =	vadd.f32 v19, v5;
	v12 =	vld [tilespmem:s23+$0x20];
	vm0 =	vlt.f32 v22, $9.999999770e-03  }
0x39: {  	v11 =	vld [tilespmem:s23+$0x2000];
	v18 =	vsub.f32 v15, v22;
	v14 =	vsel vm0, $0x40800000, v0;
	v6 =	vadd.f32 v16, v6  }
0x3a: {  	v4 =	vadd.f32 v21, v4;
	v5 =	vadd.f32 v20, v5;
	vm2 =	vlt.f32 v10, $9.999999770e-03;
	v15 =	vld [tilespmem:s23+$0x40]  }
0x3b: {  	s25 =	smov.u32 s24;
	v19 =	vsel vm3, $0x40800000, v0;
	vm0 =	vlt.f32 v3, $9.999999770e-03;
	v18 =	vand.u32 $0x7FFFFFFF, v18;
	v16 =	vld [tilespmem:s23+$0x60]  }
0x3c: {  	s31 =	simm.s32 $0x0  }
0x3d: {  	v20 =	vld [tilespmem:s23+$0x0];
	[tilespmem:s31], [sflag:$0x1] =	stream.linear.gather [hbm4b:s7+s31], $0x1000, $0x38  }
0x3e: {  	_ = 	snop  }
0x3f: {  	[tilespmem:s13], [sflag:$0x3] =	stream.linear.gather [hbm4b:s8+s31], $0x1000, $0x38;
	[tilespmem:$0x4080] =	vst v63  }
0x40: {  	_ =	swait.ge [sflag:s18], $0x1000  }
0x41: {  	[sflag:s18] =	ssyncset.done $0x0  }
0x42: {  	[sflag:s18] =	ssyncadd.s32 $0xFFFFF000  }
0x43: {  	_ =	swait.ge [sflag:s19], $0x1000  }
0x44: {  	v21 =	vsel vm1, $0x40800000, v0;
	[sflag:s19] =	ssyncset.done $0x0  }
0x45: {  	vm1 =	vlt.f32 v1, $9.999999770e-03;
	v17 =	vand.u32 $0x7FFFFFFF, v17;
	v13 =	vsub.f32 v13, v3;
	s23 =	simm.s32 $0x0;
	[sflag:s19] =	ssyncadd.s32 $0xFFFFF000  }
0x46: {  	v2 =	vsub.f32 v2, v9;
	v17 =	vmul.f32 v19, v17;
	v10 =	vsub.f32 v12, v10;
	v3 =	vld [tilespmem:s23+$0x3040]  }
0x47: {  	v12 =	vmul.f32 v14, v18;
	vm3 =	vlt.f32 v11, $9.999999770e-03;
	v14 =	vsub.f32 v15, v8;
	v8 =	vld [tilespmem:s23+$0x3050]  }
0x48: {  	v15 =	vsel vm2, $0x40800000, v0;
	vm2 =	vlt.f32 v9, $9.999999770e-03;
	v9 =	vand.u32 $0x7FFFFFFF, v2;
	v2 =	vld [tilespmem:s23+$0x1050]  }
0x49: {  	v7 =	vadd.f32 v12, v7;
	v16 =	vsub.f32 v16, v1;
	v18 =	vsel vm2, $0x40800000, v0;
	v1 =	vld [tilespmem:s23+$0x3060]  }
0x4a: {  	v11 =	vsub.f32 v20, v11;
	v18 =	vmul.f32 v18, v9;
	v9 =	vand.u32 $0x7FFFFFFF, v10;
	v19 =	vld [tilespmem:s23+$0x3070]  }
0x4b: {  	v12 =	vsel vm3, $0x40800000, v0;
	v9 =	vmul.f32 v15, v9;
	v16 =	vand.u32 $0x7FFFFFFF, v16;
	v20 =	vld [tilespmem:s23+$0x1070]  }
0x4c: {  	v10 =	vand.u32 $0x7FFFFFFF, v11;
	v11 =	vand.u32 $0x7FFFFFFF, v13;
	v13 =	vsel vm0, $0x40800000, v0;
	v15 =	vld [tilespmem:s23+$0x3030]  }
0x4d: {  	v10 =	vmul.f32 v12, v10;
	v12 =	vsel vm1, $0x40800000, v0;
	v11 =	vmul.f32 v13, v11;
	v22 =	vld [tilespmem:s23+$0x1030]  }
0x4e: {  	v13 =	vand.u32 $0x7FFFFFFF, v14;
	v6 =	vadd.f32 v9, v6;
	v12 =	vmul.f32 v12, v16;
	v9 =	vld [tilespmem:s23+$0x3020]  }
0x4f: {  	v14 =	vmul.f32 v21, v13;
	v16 =	vadd.f32 v10, v4;
	v11 =	vadd.f32 v11, v5;
	v4 =	vld [tilespmem:s23+$0x3010]  }
0x50: {  	v10 =	vadd.f32 v17, v7;
	v13 =	vld [tilespmem:s23+$0x1010];
	v7 =	vadd.f32 v12, v6  }
0x51: {  	v12 =	vld [tilespmem:s23+$0x1020];
	v5 =	vadd.f32 v14, v16;
	v6 =	vadd.f32 v18, v11;
	vm1 =	vlt.f32 v3, $9.999999770e-03  }
0x52: {  	v11 =	vld [tilespmem:s23+$0x3000];
	vm3 =	vlt.f32 v19, $9.999999770e-03;
	vm0 =	vlt.f32 v15, $9.999999770e-03;
	v15 =	vsub.f32 v22, v15  }
0x53: {  	s24 =	simm.s32 $0x200;
	v16 =	vld [tilespmem:s23+$0x1040];
	v17 =	vsub.f32 v20, v19;
	vm2 =	vlt.f32 v9, $9.999999770e-03;
	v14 =	vsel vm0, $0x40800000, v0  }
0x54: {  	vm0 =	vlt.f32 v4, $9.999999770e-03;
	v19 =	vsel vm3, $0x40800000, v0;
	v18 =	vand.u32 $0x7FFFFFFF, v15;
	v15 =	vld [tilespmem:s23+$0x1060]  }
.LBB2_4:
0x55: {  	v20 =	vld [tilespmem:s23+$0x1000];
	s23 =	sshra.s32 s24, $0x2;
	v21 =	vsel vm1, $0x40800000, v0;
	vm1 =	vlt.f32 v1, $9.999999770e-03;
	v17 =	vand.u32 $0x7FFFFFFF, v17  }
0x56: {  	p0 =	sne.s32 s24, $0x3E00;
	s24 =	sadd.s32 $0x200, s24;
	v4 =	vsub.f32 v13, v4;
	v22 =	vld [tilespmem:s23+$0x3040];
	v23 =	vsel vm1, $0x40800000, v0;
	v13 =	vmul.f32 v19, v17  }
0x57: {  	v9 =	vsub.f32 v12, v9;
	v12 =	vsub.f32 v2, v8;
	v17 =	vld [tilespmem:s23+$0x3050];
	vm1 =	vlt.f32 v11, $9.999999770e-03  }
0x58: {  	v14 =	vmul.f32 v14, v18;
	vm3 =	vlt.f32 v8, $9.999999770e-03;
	v2 =	vld [tilespmem:s23+$0x1050];
	v16 =	vsub.f32 v16, v3  }
0x59: {  	v18 =	vsel vm2, $0x40800000, v0;
	v24 =	vand.u32 $0x7FFFFFFF, v12;
	v25 =	vsub.f32 v15, v1;
	v1 =	vld [tilespmem:s23+$0x3060]  }
0x5a: {  	v10 =	vadd.f32 v14, v10;
	v14 =	vsel vm3, $0x40800000, v0;
	v12 =	vld [tilespmem:s23+$0x3070];
	v11 =	vsub.f32 v20, v11  }
0x5b: {  	v19 =	vsel vm1, $0x40800000, v0;
	v20 =	vmul.f32 v14, v24;
	v15 =	vld [tilespmem:s23+$0x1070];
	v14 =	vand.u32 $0x7FFFFFFF, v25;
	v3 =	vmovc v22  }
0x5c: {  	v10 =	vadd.f32 v13, v10;
	v24 =	vand.u32 $0x7FFFFFFF, v9;
	v9 =	vand.u32 $0x7FFFFFFF, v16;
	v22 =	vld [tilespmem:s23+$0x3030];
	v8 =	vmovc v17  }
0x5d: {  	v21 =	vmul.f32 v21, v9;
	vm1 =	vlt.f32 v3, $9.999999770e-03;
	v11 =	vand.u32 $0x7FFFFFFF, v11;
	v16 =	vld [tilespmem:s23+$0x1030]  }
0x5e: {  	v13 =	vand.u32 $0x7FFFFFFF, v4;
	v18 =	vmul.f32 v18, v24;
	v17 =	vsel vm0, $0x40800000, v0;
	v9 =	vld [tilespmem:s23+$0x3020]  }
0x5f: {  	v11 =	vmul.f32 v19, v11;
	v19 =	vmul.f32 v17, v13;
	v4 =	vld [tilespmem:s23+$0x3010];
	vm3 =	vlt.f32 v12, $9.999999770e-03  }
.Ltmp1:
0x60: {  	v7 =	vadd.f32 v18, v7;
	v13 =	vld [tilespmem:s23+$0x1010];
	v17 =	vsub.f32 v15, v12;
	v15 =	vmul.f32 v23, v14;
	(pc) =	sbr.rel @p0 .LBB2_4-.Ltmp1, $4  }
0x61: {  	v5 =	vadd.f32 v11, v5;
	v6 =	vadd.f32 v19, v6;
	v12 =	vld [tilespmem:s23+$0x1020];
	vm0 =	vlt.f32 v22, $9.999999770e-03  }
0x62: {  	v11 =	vld [tilespmem:s23+$0x3000];
	v18 =	vsub.f32 v16, v22;
	v14 =	vsel vm0, $0x40800000, v0;
	v7 =	vadd.f32 v15, v7  }
0x63: {  	v5 =	vadd.f32 v21, v5;
	v6 =	vadd.f32 v20, v6;
	vm2 =	vlt.f32 v9, $9.999999770e-03;
	v16 =	vld [tilespmem:s23+$0x1040]  }
0x64: {  	v19 =	vsel vm3, $0x40800000, v0;
	vm0 =	vlt.f32 v4, $9.999999770e-03;
	v18 =	vand.u32 $0x7FFFFFFF, v18;
	v15 =	vld [tilespmem:s23+$0x1060]  }
0x65: {  	s31 =	simm.s32 $0x0  }
0x66: {  	v20 =	vld [tilespmem:s23+$0x1000];
	[tilespmem:s14], [sflag:$0x2] =	stream.linear.gather [hbm4b:s9+s31], $0x1000, $0x38  }
0x67: {  	_ = 	snop  }
0x68: {  	[tilespmem:s15], [sflag:$0x4] =	stream.linear.gather [hbm4b:s10+s31], $0x1000, $0x38;
	[tilespmem:$0x4080] =	vst v63  }
0x69: {  	_ =	swait.ge [sflag:s16], $0x1000  }
0x6a: {  	[sflag:s16] =	ssyncset.done $0x0  }
0x6b: {  	[sflag:s16] =	ssyncadd.s32 $0xFFFFF000  }
0x6c: {  	_ =	swait.ge [sflag:s17], $0x1000  }
0x6d: {  	v21 =	vsel vm1, $0x40800000, v0;
	[sflag:s17] =	ssyncset.done $0x0  }
0x6e: {  	vm1 =	vlt.f32 v1, $9.999999770e-03;
	v17 =	vand.u32 $0x7FFFFFFF, v17;
	v13 =	vsub.f32 v13, v4;
	s23 =	simm.s32 $0x0;
	[sflag:s17] =	ssyncadd.s32 $0xFFFFF000  }
0x6f: {  	v2 =	vsub.f32 v2, v8;
	v14 =	vmul.f32 v14, v18;
	v17 =	vmul.f32 v19, v17;
	v4 =	vld [tilespmem:s23+$0x2040]  }
0x70: {  	v12 =	vsub.f32 v12, v9;
	vm3 =	vlt.f32 v11, $9.999999770e-03;
	v3 =	vsub.f32 v16, v3;
	v9 =	vld [tilespmem:s23+$0x2050]  }
0x71: {  	v16 =	vsel vm2, $0x40800000, v0;
	vm2 =	vlt.f32 v8, $9.999999770e-03;
	v8 =	vand.u32 $0x7FFFFFFF, v2;
	v2 =	vld [tilespmem:s23+$0x50]  }
0x72: {  	v14 =	vadd.f32 v14, v10;
	v15 =	vsub.f32 v15, v1;
	v18 =	vsel vm2, $0x40800000, v0;
	v1 =	vld [tilespmem:s23+$0x2060]  }
0x73: {  	v10 =	vsel vm3, $0x40800000, v0;
	v11 =	vsub.f32 v20, v11;
	v18 =	vmul.f32 v18, v8;
	v19 =	vld [tilespmem:s23+$0x2070]  }
0x74: {  	v8 =	vand.u32 $0x7FFFFFFF, v12;
	v12 =	vand.u32 $0x7FFFFFFF, v13;
	v13 =	vsel vm0, $0x40800000, v0;
	v20 =	vld [tilespmem:s23+$0x70]  }
0x75: {  	v8 =	vmul.f32 v16, v8;
	v15 =	vand.u32 $0x7FFFFFFF, v15;
	v11 =	vand.u32 $0x7FFFFFFF, v11;
	v16 =	vld [tilespmem:s23+$0x2030]  }
0x76: {  	v12 =	vmul.f32 v13, v12;
	v11 =	vmul.f32 v10, v11;
	v10 =	vsel vm1, $0x40800000, v0;
	v22 =	vld [tilespmem:s23+$0x30]  }
0x77: {  	v3 =	vand.u32 $0x7FFFFFFF, v3;
	v13 =	vadd.f32 v8, v7;
	v15 =	vmul.f32 v10, v15;
	v10 =	vld [tilespmem:s23+$0x2020]  }
0x78: {  	v3 =	vmul.f32 v21, v3;
	v5 =	vadd.f32 v11, v5;
	v11 =	vadd.f32 v12, v6;
	v7 =	vld [tilespmem:s23+$0x2010]  }
0x79: {  	v8 =	vadd.f32 v17, v14;
	v12 =	vld [tilespmem:s23+$0x20];
	v6 =	vadd.f32 v15, v13  }
0x7a: {  	v13 =	vld [tilespmem:s23+$0x10];
	v3 =	vadd.f32 v3, v5;
	v5 =	vadd.f32 v18, v11;
	vm1 =	vlt.f32 v4, $9.999999770e-03  }
0x7b: {  	v11 =	vld [tilespmem:s23+$0x2000];
	vm3 =	vlt.f32 v19, $9.999999770e-03;
	vm0 =	vlt.f32 v16, $9.999999770e-03;
	v15 =	vsub.f32 v22, v16  }
0x7c: {  	s25 =	simm.s32 $0x200;
	v17 =	vsub.f32 v20, v19;
	vm2 =	vlt.f32 v10, $9.999999770e-03;
	v16 =	vld [tilespmem:s23+$0x40];
	v14 =	vsel vm0, $0x40800000, v0  }
0x7d: {  	vm0 =	vlt.f32 v7, $9.999999770e-03;
	v19 =	vsel vm3, $0x40800000, v0;
	v18 =	vand.u32 $0x7FFFFFFF, v15;
	v15 =	vld [tilespmem:s23+$0x60]  }
.LBB2_6:
0x7e: {  	s24 =	smov.u32 s25  }
0x7f: {  	v20 =	vld [tilespmem:s23+$0x0];
	s23 =	sshra.s32 s25, $0x2;
	v21 =	vsel vm1, $0x40800000, v0;
	vm1 =	vlt.f32 v1, $9.999999770e-03;
	v17 =	vand.u32 $0x7FFFFFFF, v17;
	s24 =	sadd.s32 $0x200, s25  }
0x80: {  	p0 =	sne.s32 s25, $0x3E00;
	v7 =	vsub.f32 v13, v7;
	v23 =	vsel vm1, $0x40800000, v0;
	v13 =	vmul.f32 v19, v17;
	v22 =	vld [tilespmem:s23+$0x2040]  }
0x81: {  	v10 =	vsub.f32 v12, v10;
	v12 =	vsub.f32 v2, v9;
	vm1 =	vlt.f32 v11, $9.999999770e-03;
	v17 =	vld [tilespmem:s23+$0x2050]  }
0x82: {  	v14 =	vmul.f32 v14, v18;
	vm3 =	vlt.f32 v9, $9.999999770e-03;
	v16 =	vsub.f32 v16, v4;
	v2 =	vld [tilespmem:s23+$0x50]  }
0x83: {  	v18 =	vsel vm2, $0x40800000, v0;
	v24 =	vand.u32 $0x7FFFFFFF, v12;
	v25 =	vsub.f32 v15, v1;
	v1 =	vld [tilespmem:s23+$0x2060]  }
0x84: {  	v8 =	vadd.f32 v14, v8;
	v14 =	vsel vm3, $0x40800000, v0;
	v11 =	vsub.f32 v20, v11;
	v12 =	vld [tilespmem:s23+$0x2070]  }
0x85: {  	v19 =	vsel vm1, $0x40800000, v0;
	v20 =	vmul.f32 v14, v24;
	v14 =	vand.u32 $0x7FFFFFFF, v25;
	v15 =	vld [tilespmem:s23+$0x70];
	v4 =	vmovc v22  }
0x86: {  	v8 =	vadd.f32 v13, v8;
	v24 =	vand.u32 $0x7FFFFFFF, v10;
	v10 =	vand.u32 $0x7FFFFFFF, v16;
	v22 =	vld [tilespmem:s23+$0x2030];
	v9 =	vmovc v17  }
0x87: {  	v21 =	vmul.f32 v21, v10;
	v11 =	vand.u32 $0x7FFFFFFF, v11;
	vm1 =	vlt.f32 v4, $9.999999770e-03;
	v16 =	vld [tilespmem:s23+$0x30]  }
0x88: {  	v13 =	vand.u32 $0x7FFFFFFF, v7;
	v18 =	vmul.f32 v18, v24;
	v17 =	vsel vm0, $0x40800000, v0;
	v10 =	vld [tilespmem:s23+$0x2020]  }
0x89: {  	v11 =	vmul.f32 v19, v11;
	v19 =	vmul.f32 v17, v13;
	v7 =	vld [tilespmem:s23+$0x2010];
	vm3 =	vlt.f32 v12, $9.999999770e-03  }
.Ltmp2:
0x8a: {  	v6 =	vadd.f32 v18, v6;
	v13 =	vld [tilespmem:s23+$0x10];
	v17 =	vsub.f32 v15, v12;
	v15 =	vmul.f32 v23, v14;
	(pc) =	sbr.rel @p0 .LBB2_6-.Ltmp2, $4  }
0x8b: {  	v3 =	vadd.f32 v11, v3;
	v5 =	vadd.f32 v19, v5;
	v12 =	vld [tilespmem:s23+$0x20];
	vm0 =	vlt.f32 v22, $9.999999770e-03  }
0x8c: {  	v11 =	vld [tilespmem:s23+$0x2000];
	v18 =	vsub.f32 v16, v22;
	v14 =	vsel vm0, $0x40800000, v0;
	v6 =	vadd.f32 v15, v6  }
0x8d: {  	v3 =	vadd.f32 v21, v3;
	v5 =	vadd.f32 v20, v5;
	vm2 =	vlt.f32 v10, $9.999999770e-03;
	v16 =	vld [tilespmem:s23+$0x40]  }
0x8e: {  	s25 =	smov.u32 s24;
	v19 =	vsel vm3, $0x40800000, v0;
	vm0 =	vlt.f32 v7, $9.999999770e-03;
	v18 =	vand.u32 $0x7FFFFFFF, v18;
	v15 =	vld [tilespmem:s23+$0x60]  }
0x8f: {  	v20 =	vld [tilespmem:s23+$0x0];
	_ =	swait.ge [sflag:s18], $0x1000  }
0x90: {  	[sflag:s18] =	ssyncset.done $0x0  }
0x91: {  	[sflag:s18] =	ssyncadd.s32 $0xFFFFF000  }
0x92: {  	_ =	swait.ge [sflag:s19], $0x1000  }
0x93: {  	v21 =	vsel vm1, $0x40800000, v0;
	[sflag:s19] =	ssyncset.done $0x0  }
0x94: {  	vm1 =	vlt.f32 v1, $9.999999770e-03;
	v17 =	vand.u32 $0x7FFFFFFF, v17;
	v13 =	vsub.f32 v13, v7;
	s23 =	simm.s32 $0x0;
	[sflag:s19] =	ssyncadd.s32 $0xFFFFF000  }
0x95: {  	v2 =	vsub.f32 v2, v9;
	v17 =	vmul.f32 v19, v17;
	v10 =	vsub.f32 v12, v10;
	v7 =	vld [tilespmem:s23+$0x3040]  }
0x96: {  	v12 =	vmul.f32 v14, v18;
	vm3 =	vlt.f32 v11, $9.999999770e-03;
	v14 =	vsub.f32 v16, v4;
	v4 =	vld [tilespmem:s23+$0x3050]  }
0x97: {  	v16 =	vsel vm2, $0x40800000, v0;
	vm2 =	vlt.f32 v9, $9.999999770e-03;
	v9 =	vand.u32 $0x7FFFFFFF, v2;
	v2 =	vld [tilespmem:s23+$0x1050]  }
0x98: {  	v8 =	vadd.f32 v12, v8;
	v15 =	vsub.f32 v15, v1;
	v18 =	vsel vm2, $0x40800000, v0;
	v1 =	vld [tilespmem:s23+$0x3060]  }
0x99: {  	v11 =	vsub.f32 v20, v11;
	v18 =	vmul.f32 v18, v9;
	v9 =	vand.u32 $0x7FFFFFFF, v10;
	v19 =	vld [tilespmem:s23+$0x3070]  }
0x9a: {  	v12 =	vsel vm3, $0x40800000, v0;
	v9 =	vmul.f32 v16, v9;
	v16 =	vld [tilespmem:s23+$0x3030];
	v15 =	vand.u32 $0x7FFFFFFF, v15  }
0x9b: {  	v22 =	vld [tilespmem:s23+$0x1030];
	v10 =	vand.u32 $0x7FFFFFFF, v11;
	v11 =	vand.u32 $0x7FFFFFFF, v13;
	v13 =	vsel vm0, $0x40800000, v0  }
0x9c: {  	v20 =	vld [tilespmem:s23+$0x1070];
	v10 =	vmul.f32 v12, v10;
	v12 =	vsel vm1, $0x40800000, v0;
	v11 =	vmul.f32 v13, v11  }
0x9d: {  	v6 =	vadd.f32 v9, v6;
	v9 =	vld [tilespmem:s23+$0x3020];
	v12 =	vmul.f32 v12, v15  }
0x9e: {  	v8 =	vadd.f32 v17, v8;
	v13 =	vand.u32 $0x7FFFFFFF, v14;
	v5 =	vadd.f32 v11, v5;
	v11 =	vld [tilespmem:s23+$0x3010]  }
0x9f: {  	v14 =	vmul.f32 v21, v13;
	v13 =	vld [tilespmem:s23+$0x1010];
	v3 =	vadd.f32 v10, v3;
	v6 =	vadd.f32 v12, v6  }
0xa0: {  	v10 =	vld [tilespmem:s23+$0x3000];
	vm1 =	vlt.f32 v7, $9.999999770e-03;
	vm0 =	vlt.f32 v16, $9.999999770e-03;
	v16 =	vsub.f32 v22, v16  }
0xa1: {  	v12 =	vld [tilespmem:s23+$0x1020];
	vm3 =	vlt.f32 v19, $9.999999770e-03;
	v17 =	vsub.f32 v20, v19;
	v3 =	vadd.f32 v14, v3  }
0xa2: {  	v15 =	vld [tilespmem:s23+$0x1040];
	v5 =	vadd.f32 v18, v5;
	v14 =	vsel vm0, $0x40800000, v0;
	v19 =	vsel vm3, $0x40800000, v0  }
0xa3: {  	s24 =	simm.s32 $0x200;
	vm2 =	vlt.f32 v9, $9.999999770e-03;
	v18 =	vand.u32 $0x7FFFFFFF, v16;
	v16 =	vld [tilespmem:s23+$0x1060];
	vm0 =	vlt.f32 v11, $9.999999770e-03  }
.LBB2_8:
0xa4: {  	v20 =	vld [tilespmem:s23+$0x1000];
	s23 =	sshra.s32 s24, $0x2;
	v21 =	vsel vm1, $0x40800000, v0;
	vm1 =	vlt.f32 v1, $9.999999770e-03;
	v17 =	vand.u32 $0x7FFFFFFF, v17  }
0xa5: {  	p0 =	sne.s32 s24, $0x3E00;
	s24 =	sadd.s32 $0x200, s24;
	v11 =	vsub.f32 v13, v11;
	v22 =	vld [tilespmem:s23+$0x3040];
	v23 =	vsel vm1, $0x40800000, v0;
	v13 =	vmul.f32 v19, v17  }
0xa6: {  	v9 =	vsub.f32 v12, v9;
	v12 =	vsub.f32 v2, v4;
	v17 =	vld [tilespmem:s23+$0x3050];
	vm1 =	vlt.f32 v10, $9.999999770e-03  }
0xa7: {  	v14 =	vmul.f32 v14, v18;
	vm3 =	vlt.f32 v4, $9.999999770e-03;
	v2 =	vld [tilespmem:s23+$0x1050];
	v15 =	vsub.f32 v15, v7  }
0xa8: {  	v18 =	vsel vm2, $0x40800000, v0;
	v4 =	vand.u32 $0x7FFFFFFF, v12;
	v24 =	vsub.f32 v16, v1;
	v1 =	vld [tilespmem:s23+$0x3060]  }
0xa9: {  	v8 =	vadd.f32 v14, v8;
	v14 =	vsel vm3, $0x40800000, v0;
	v12 =	vld [tilespmem:s23+$0x3070];
	v10 =	vsub.f32 v20, v10  }
0xaa: {  	v19 =	vsel vm1, $0x40800000, v0;
	v20 =	vmul.f32 v14, v4;
	v16 =	vld [tilespmem:s23+$0x1070];
	v14 =	vand.u32 $0x7FFFFFFF, v24;
	v7 =	vmovc v22  }
0xab: {  	v8 =	vadd.f32 v13, v8;
	v24 =	vand.u32 $0x7FFFFFFF, v9;
	v9 =	vand.u32 $0x7FFFFFFF, v15;
	v22 =	vld [tilespmem:s23+$0x3030];
	v4 =	vmovc v17  }
0xac: {  	vm1 =	vlt.f32 v7, $9.999999770e-03;
	v10 =	vand.u32 $0x7FFFFFFF, v10;
	v21 =	vmul.f32 v21, v9;
	v15 =	vld [tilespmem:s23+$0x1030]  }
0xad: {  	v13 =	vand.u32 $0x7FFFFFFF, v11;
	v17 =	vsel vm0, $0x40800000, v0;
	v18 =	vmul.f32 v18, v24;
	v9 =	vld [tilespmem:s23+$0x3020]  }
0xae: {  	v10 =	vmul.f32 v19, v10;
	v19 =	vmul.f32 v17, v13;
	v11 =	vld [tilespmem:s23+$0x3010];
	vm3 =	vlt.f32 v12, $9.999999770e-03  }
.Ltmp3:
0xaf: {  	v6 =	vadd.f32 v18, v6;
	v13 =	vld [tilespmem:s23+$0x1010];
	v17 =	vsub.f32 v16, v12;
	v16 =	vmul.f32 v23, v14;
	(pc) =	sbr.rel @p0 .LBB2_8-.Ltmp3, $4  }
0xb0: {  	v3 =	vadd.f32 v10, v3;
	v5 =	vadd.f32 v19, v5;
	v12 =	vld [tilespmem:s23+$0x1020];
	vm0 =	vlt.f32 v22, $9.999999770e-03  }
0xb1: {  	v10 =	vld [tilespmem:s23+$0x3000];
	v18 =	vsub.f32 v15, v22;
	v14 =	vsel vm0, $0x40800000, v0;
	v6 =	vadd.f32 v16, v6  }
0xb2: {  	v3 =	vadd.f32 v21, v3;
	v5 =	vadd.f32 v20, v5;
	vm2 =	vlt.f32 v9, $9.999999770e-03;
	v15 =	vld [tilespmem:s23+$0x1040]  }
0xb3: {  	v19 =	vsel vm3, $0x40800000, v0;
	vm0 =	vlt.f32 v11, $9.999999770e-03;
	v18 =	vand.u32 $0x7FFFFFFF, v18;
	v16 =	vld [tilespmem:s23+$0x1060]  }
0xb4: {  	v21 =	vsel vm1, $0x40800000, v0  }
0xb5: {  	v20 =	vld [tilespmem:s23+$0x1000];
	vm14 =	vlt.f32 v1, $9.999999770e-03;
	v17 =	vand.u32 $0x7FFFFFFF, v17;
	v11 =	vsub.f32 v13, v11  }
0xb6: {  	v2 =	vsub.f32 v2, v4;
	v54 =	vmul.f32 v14, v18;
	vm3 =	vlt.f32 v4, $9.999999770e-03  }
0xb7: {  	v55 =	vsel vm2, $0x40800000, v0;
	v59 =	vsel vm0, $0x40800000, v0;
	v53 =	vsel vm14, $0x40800000, v0  }
0xb8: {  	v17 =	vmul.f32 v19, v17;
	v9 =	vsub.f32 v12, v9;
	v57 =	vsel vm3, $0x40800000, v0  }
0xb9: {  	vm15 =	vlt.f32 v10, $9.999999770e-03;
	v2 =	vand.u32 $0x7FFFFFFF, v2;
	v8 =	vadd.f32 v54, v8  }
0xba: {  	v11 =	vand.u32 $0x7FFFFFFF, v11;
	v7 =	vsub.f32 v15, v7;
	v56 =	vsub.f32 v20, v10  }
0xbb: {  	v58 =	vsel vm15, $0x40800000, v0;
	v9 =	vand.u32 $0x7FFFFFFF, v9;
	v61 =	vmul.f32 v59, v11  }
0xbc: {  	v1 =	vsub.f32 v16, v1;
	v4 =	vmul.f32 v55, v9;
	v10 =	vand.u32 $0x7FFFFFFF, v56  }
0xbd: {  	v2 =	vmul.f32 v57, v2;
	v7 =	vand.u32 $0x7FFFFFFF, v7;
	v60 =	vmul.f32 v58, v10  }
0xbe: {  	v5 =	vadd.f32 v61, v5;
	v1 =	vand.u32 $0x7FFFFFFF, v1;
	v4 =	vadd.f32 v4, v6  }
0xbf: {  	v62 =	vmul.f32 v21, v7;
	v1 =	vmul.f32 v53, v1;
	v3 =	vadd.f32 v60, v3  }
0xc0: {  	v63 =	vadd.f32 v17, v8;
	v2 =	vadd.f32 v2, v5  }
0xc1: {  	v1 =	vadd.f32 v1, v4;
	v3 =	vadd.f32 v62, v3;
	_ =	sdelay $0x1  }
0xc2: {  	v1 =	vadd.f32 v63, v1;
	v2 =	vadd.f32 v2, v3;
	_ =	sdelay $0x1  }
0xc3: {  	s22 =	sadd.s32 $0x1, s22;
	v1 =	vadd.f32 v1, v2  }
0xc4: {  	p0 =	sne.s32 s22, s12  }
.Ltmp4:
0xc5: {  	[tilespmem:$0x4000] =	vst v1;
	(pc) =	sbr.rel @p0 .LBB2_1-.Ltmp4, $4  }
0xc6: {  	[hbm4b:s11+s2] =	stream.linear.scatter [tilespmem:s20], [sflag:$0x5], $0x80, $0x38;
	[tilespmem:$0x4080] =	vst v63  }
0xc7: {  	_ =	swait.ge [sflag:s21], $0x80  }
0xc8: {  	[sflag:s21] =	ssyncset.done $0x0  }
0xc9: {  	[sflag:s21] =	ssyncadd.s32 $0xFFFFFF80  }
0xca: {  	_ =	sfence.sel $0x180000  }
0xcb: {  	[bflag:$0x0] =	sbarrier.arrive $0xFFFF  }
0xcc: {  	p0 =	sne.s32 s1, $0x0;
	_ =	strace $0x90000047  }
0xcd: {  	s0 =	sadd.s32 @!p0 $0x100000, s0;
	[bflag:$0x2] =	sbarrier.arrive $0xFFFF  }
0xce: {  	[sflag:s0] =	ssyncadd.tile.s32 @!p0 $0x1;
	_ =	shalt  }
.Lfunc_end2:
_tile_overlayer_lowered:
.L_overlay_start_2:
0xcf: {  	(tag) =	ssettag $0x2  }
0xd0: {  	s0 =	rddreg [dreg:$0x0];
	s2 =	stileid.u32  }
0xd1: {  	s1 =	rddreg [dreg:$0x1];
	p0 =	sne.s32 s2, $0x0  }
0xd2: {  	s3 =	rddreg [dreg:$0x2];
	[bflag:$0x3] =	sbarrier.arrive $0xFFFF;
	s2 =	simm.s32 @!p0 $0x1C05  }
0xd3: {  	[timem:s3], [sflag:s2] =	dma.local @!p0 [hbm:s0], s1  }
0xd4: {  	s0 =	simm.s32 @!p0 $0x5  }
0xd5: {  	_ =	swait.ge @!p0 [sflag:s0], s1  }
0xd6: {  	s1 =	ssub.s32 @!p0 $0x0, s1;
	[sflag:s0] =	ssyncset.done @!p0 $0x0  }
0xd7: {  	[sflag:s0] =	ssyncadd.s32 @!p0 s1  }
0xd8: {  	[bflag:$0x3] =	sbarrier.arrive $0xFFFF  }
0xd9: {  	_ =	shalt  }

</sc_bundles>
